<compile_context>
chip_gen: v7x
topology: tpu7x:2x2x1
jax: 0.10.2.dev20260603
libtpu: 0.0.44.dev20260713+nightly
codegen_flags: <defaults>
</compile_context>

<pallas_src>
import functools

import jax
import jax.numpy as jnp
from jax import lax
from jax.experimental import pallas as pl
from jax.experimental.pallas import tpu as pltpu
from jax.experimental.pallas import tpu_sc as plsc

B, C, H, W = 4, 64, 24, 24
HW = H * W
K = 512
_N_ELEM = B * C * HW

_NW = 32
_QPW = B * HW // _NW
_QPAD = 80


def _vq_tc_kernel(x_ref, emb_ref, idx_ref, tail_ref, loss_ref):
    emb = emb_ref[...]
    en = jnp.sum(emb * emb, axis=1, keepdims=True)
    rowids = lax.broadcasted_iota(jnp.int32, (K, HW), 0)
    big = jnp.int32(K)

    total = jnp.zeros((1, 1), jnp.float32)
    for b in range(B):
        xb = x_ref[b]

        scores = lax.dot_general(
            emb, xb, (((1,), (0,)), ((), ())),
            preferred_element_type=jnp.float32,
            precision=lax.Precision.HIGHEST,
        )
        d = en - 2.0 * scores

        dmin1 = jnp.min(d, axis=0, keepdims=True)
        i1 = jnp.min(jnp.where(d == dmin1, rowids, big), axis=0, keepdims=True)
        oh1 = (rowids == i1).astype(jnp.float32)
        e1 = lax.dot_general(
            emb, oh1, (((0,), (0,)), ((), ())),
            preferred_element_type=jnp.float32,
            precision=lax.Precision.HIGHEST,
        )

        dm = jnp.where(rowids == i1, jnp.float32(jnp.inf), d)
        dmin2 = jnp.min(dm, axis=0, keepdims=True)
        i2 = jnp.min(jnp.where(dm == dmin2, rowids, big), axis=0, keepdims=True)
        oh2 = (rowids == i2).astype(jnp.float32)
        e2 = lax.dot_general(
            emb, oh2, (((0,), (0,)), ((), ())),
            preferred_element_type=jnp.float32,
            precision=lax.Precision.HIGHEST,
        )

        d1 = jnp.sum((xb - e1) ** 2, axis=0, keepdims=True)
        d2 = jnp.sum((xb - e2) ** 2, axis=0, keepdims=True)
        win2 = (d2 < d1) | ((d2 == d1) & (i2 < i1))

        idx_ref[b] = jnp.where(win2, i2, i1)

        tail_ref[b] = jnp.where(win2[:, _SC_Q:], e2[:, _SC_Q:], e1[:, _SC_Q:])

        dwin = jnp.where(win2, d2, d1)
        total = total + jnp.sum(dwin, axis=1, keepdims=True)

    loss_ref[...] = total * jnp.float32(2.0 / _N_ELEM)


_QFULL = 128
_SC_Q = 512
_CHUNKS = _SC_Q // _QFULL


@functools.partial(
    pl.kernel,
    out_type=jax.ShapeDtypeStruct((B, C, _SC_Q), jnp.float32),
    mesh=plsc.VectorSubcoreMesh(core_axis_name="c", subcore_axis_name="s"),
    scratch_types=[
        pltpu.VMEM((HW,), jnp.int32),
        pltpu.VMEM((_QFULL, 2 * C), jnp.float32),
        pltpu.VMEM((C, _QFULL), jnp.float32),
        pltpu.SemaphoreType.DMA,
    ],
    compiler_params=pltpu.CompilerParams(needs_layout_passes=False),
)
def _sc_gather(emb_hbm, idx_hbm, out_hbm, idx_v, rows_v, out_v, sem):
    wid = lax.axis_index("s") * 2 + lax.axis_index("c")
    b = wid // _CHUNKS
    chunk = wid % _CHUNKS
    hw0 = chunk * _QFULL

    @pl.when(wid < B * _CHUNKS)
    def _work():
        pltpu.sync_copy(idx_hbm.at[b, 0], idx_v)
        pltpu.async_copy(emb_hbm.at[idx_v.at[pl.ds(hw0, _QFULL)]],
                         rows_v, sem).wait()
        lanes = jax.lax.iota(jnp.int32, 16)

        @plsc.parallel_loop(0, (_QFULL // 16) * (C // 16), unroll=2)
        def _transpose(it):
            j = it // (C // 16)
            c0 = (it % (C // 16)) * 16
            qvec = lanes + j * 16
            for cc in range(16):
                col = jnp.zeros((16,), jnp.int32) + (c0 + cc)
                out_v[c0 + cc, pl.ds(j * 16, 16)] = plsc.load_gather(
                    rows_v, [qvec, col])
        pltpu.sync_copy(out_v, out_hbm.at[b, :, pl.ds(hw0, _QFULL)])


@jax.jit
def kernel(x, embeddings):
    x3 = x.reshape(B, C, HW)
    idx3, tail, loss = pl.pallas_call(
        _vq_tc_kernel,
        out_shape=[
            jax.ShapeDtypeStruct((B, 1, HW), jnp.int32),
            jax.ShapeDtypeStruct((B, C, HW - _SC_Q), jnp.float32),
            jax.ShapeDtypeStruct((1, 1), jnp.float32),
        ],
    )(x3, embeddings)
    emb_pad = jnp.pad(embeddings, ((0, 0), (0, C)))
    zq_main = _sc_gather(emb_pad, idx3)
    zq3 = jnp.concatenate([zq_main, tail], axis=2)
    return zq3.reshape(B, C, H, W), loss[0, 0]

# --- scband reference (transcript-rebuilt; emitter-appended) ---
"""Pipeline reference for scband-vector-quantiser-20684562497705 (READ-ONLY COPY).

The authoritative reference and input builder live on the scoring server;
editing this copy changes nothing except your own understanding.
"""

import jax, jax.numpy as jnp
import numpy as np

NUM_EMBEDDINGS = 512
EMBEDDING_DIM = 64

def setup_inputs(seed: int = 0) -> dict:
    key = jax.random.key(seed)
    k1, k2 = jax.random.split(key)
    x = jax.random.normal(k1, (4, 64, 24, 24), dtype=jnp.float32)
    embeddings = jax.random.normal(k2, (NUM_EMBEDDINGS, EMBEDDING_DIM), dtype=jnp.float32)
    return {"x": x, "embeddings": embeddings}

def reference(x, embeddings):
    b, c, h, w = x.shape
    # [b, hw, c]
    x_flat = jnp.transpose(x.reshape(b, c, h * w), (0, 2, 1))
    # broadcasted squared distances: [b, hw, K]
    distances = jnp.sum((x_flat[:, :, None, :] - embeddings[None, None, :, :]) ** 2, axis=-1)
    indices = jnp.argmin(distances, axis=2)  # [b, hw]
    z_q = jnp.take(embeddings, indices, axis=0)  # [b, hw, c]
    z_q_out = jnp.transpose(z_q, (0, 2, 1)).reshape(b, c, h, w)
    x_reconstructed = jnp.transpose(z_q_out.reshape(b, c, h * w), (0, 2, 1))
    quantisation_loss = (
        jnp.mean((jax.lax.stop_gradient(x_reconstructed) - x_flat) ** 2)
        + jnp.mean((x_reconstructed - jax.lax.stop_gradient(x_flat)) ** 2)
    )
    return (z_q_out, quantisation_loss)

if __name__ == "__main__":
    import jax
    _d = setup_inputs()
    print(jax.jit(kernel)(*tuple(_d.values())))

</pallas_src>

<mosaic_0001>
#map = affine_map<(d0, d1) -> (0, 0)>
#map1 = affine_map<(d0, d1) -> (0, 0, 0)>
module attributes {stable_mosaic.version = 14 : i64} {
  func.func @_sc_gather(%arg0: i32, %arg1: i32, %arg2: memref<512x128xf32, #tpu.memory_space<hbm>>, %arg3: memref<4x1x576xi32, #tpu.memory_space<hbm>>, %arg4: memref<4x64x512xf32, #tpu.memory_space<hbm>>, %arg5: memref<576xi32, #tpu.memory_space<vmem>>, %arg6: memref<128x128xf32, #tpu.memory_space<vmem>>, %arg7: memref<64x128xf32, #tpu.memory_space<vmem>>, %arg8: memref<!tpu.dma_semaphore, #tpu.memory_space<semaphore_mem>>) attributes {dimension_semantics = [#tpu.dimension_semantics<core_parallel>, #tpu.dimension_semantics<subcore_parallel>], iteration_bounds = array<i64: 2, 16>, scalar_prefetch = 0 : i64, scratch_operands = 4 : i64, tpu.core_type = #tpu.core_type<sc_vector_subcore>, window_params = [{transform_indices = #map}, {transform_indices = #map1}, {transform_indices = #map1}]} {
    %mul3A = arith.constant 2 : i32
    %mul3A_0 = arith.muli %arg1, %mul3A : i32
    %add3A = arith.addi %mul3A_0, %arg0 : i32
    %jit3A = arith.constant 4 : i32
    %div3A = arith.divsi %add3A, %jit3A : i32
    %sign3A = arith.constant 0 : i32
    %sign3A_1 = arith.cmpi sgt, %add3A, %sign3A : i32
    %sign3A_2 = arith.extui %sign3A_1 : i1 to i32
    %sign3A_3 = arith.constant 0 : i32
    %sign3A_4 = arith.cmpi slt, %add3A, %sign3A_3 : i32
    %sign3A_5 = arith.extui %sign3A_4 : i1 to i32
    %sign3A_6 = arith.subi %sign3A_2, %sign3A_5 : i32
    %sign3A_7 = arith.constant 0 : i32
    %sign3A_8 = arith.cmpi sgt, %jit3A, %sign3A_7 : i32
    %sign3A_9 = arith.extui %sign3A_8 : i1 to i32
    %sign3A_10 = arith.constant 0 : i32
    %sign3A_11 = arith.cmpi slt, %jit3A, %sign3A_10 : i32
    %sign3A_12 = arith.extui %sign3A_11 : i1 to i32
    %sign3A_13 = arith.subi %sign3A_9, %sign3A_12 : i32
    %ne3A = arith.cmpi ne, %sign3A_6, %sign3A_13 : i32
    %rem3A = arith.remsi %add3A, %jit3A : i32
    %ne3A_14 = arith.constant 0 : i32
    %ne3A_15 = arith.cmpi ne, %rem3A, %ne3A_14 : i32
    %and3A = arith.andi %ne3A, %ne3A_15 : i1
    %sub3A = arith.constant 1 : i32
    %sub3A_16 = arith.subi %div3A, %sub3A : i32
    %select_n3A = arith.select %and3A, %sub3A_16, %div3A : i32
    %jit3A_17 = arith.constant 4 : i32
    %eq3A = arith.constant 0 : i32
    %eq3A_18 = arith.cmpi eq, %jit3A_17, %eq3A : i32
    %jit3A_19 = arith.constant 1 : i32
    %select_n3A_20 = arith.select %eq3A_18, %jit3A_19, %jit3A_17 : i32
    %rem3A_21 = arith.remsi %add3A, %select_n3A_20 : i32
    %ne3A_22 = arith.constant 0 : i32
    %ne3A_23 = arith.cmpi ne, %rem3A_21, %ne3A_22 : i32
    %lt3A = arith.constant 0 : i32
    %lt3A_24 = arith.cmpi slt, %rem3A_21, %lt3A : i32
    %lt3A_25 = arith.constant 0 : i32
    %lt3A_26 = arith.cmpi slt, %select_n3A_20, %lt3A_25 : i32
    %ne3A_27 = arith.xori %lt3A_24, %lt3A_26 : i1
    %and3A_28 = arith.andi %ne3A_27, %ne3A_23 : i1
    %add3A_29 = arith.addi %rem3A_21, %select_n3A_20 : i32
    %select_n3A_30 = arith.select %and3A_28, %add3A_29, %rem3A_21 : i32
    %mul3A_31 = arith.constant 128 : i32
    %mul3A_32 = arith.muli %select_n3A_30, %mul3A_31 : i32
    %lt3A_33 = arith.constant 16 : i32
    %lt3A_34 = arith.cmpi slt, %add3A, %lt3A_33 : i32
    %convert_element_type3A = arith.extui %lt3A_34 : i1 to i32
    %cond3A = arith.constant 0 : i32
    %cond3A_35 = arith.cmpi ne, %convert_element_type3A, %cond3A : i32
    scf.if %cond3A_35 {
      %run_scoped3A = arith.constant 0 : i32
      "tpu.region"() ({
        %run_scoped3A_44 = tpu.sem_alloc : memref<!tpu.dma_semaphore, #tpu.memory_space<semaphore_mem>>
        %dma_start3A_45 = arith.constant 0 : i32
        %dma_start3A_46 = tpu.memref_slice %arg3[%select_n3A, %run_scoped3A, %dma_start3A_45] : memref<4x1x576xi32, #tpu.memory_space<hbm>> -> memref<1x1x576xi32, #tpu.memory_space<hbm>>
        %dma_start3A_47 = tpu.memref_squeeze %dma_start3A_46 : memref<1x1x576xi32, #tpu.memory_space<hbm>> -> memref<576xi32, #tpu.memory_space<hbm>>
        %dma_start3A_48 = arith.constant 0 : i32
        %dma_start3A_49 = tpu.memref_slice %arg3[%select_n3A, %run_scoped3A, %dma_start3A_48] : memref<4x1x576xi32, #tpu.memory_space<hbm>> -> memref<1x1x576xi32, #tpu.memory_space<hbm>>
        %dma_start3A_50 = tpu.memref_squeeze %dma_start3A_49 : memref<1x1x576xi32, #tpu.memory_space<hbm>> -> memref<576xi32, #tpu.memory_space<hbm>>
        tpu.enqueue_dma source(%dma_start3A_50 : memref<576xi32, #tpu.memory_space<hbm>>) target(%arg5 : memref<576xi32, #tpu.memory_space<vmem>>) target_semaphore(%run_scoped3A_44 : memref<!tpu.dma_semaphore, #tpu.memory_space<semaphore_mem>>)
        %dma_wait3A_51 = arith.constant 0 : i32
        %dma_wait3A_52 = tpu.memref_slice %arg3[%select_n3A, %run_scoped3A, %dma_wait3A_51] : memref<4x1x576xi32, #tpu.memory_space<hbm>> -> memref<1x1x576xi32, #tpu.memory_space<hbm>>
        %dma_wait3A_53 = tpu.memref_squeeze %dma_wait3A_52 : memref<1x1x576xi32, #tpu.memory_space<hbm>> -> memref<576xi32, #tpu.memory_space<hbm>>
        %dma_wait3A_54 = arith.constant 0 : i32
        %dma_wait3A_55 = tpu.memref_slice %arg3[%select_n3A, %run_scoped3A, %dma_wait3A_54] : memref<4x1x576xi32, #tpu.memory_space<hbm>> -> memref<1x1x576xi32, #tpu.memory_space<hbm>>
        %dma_wait3A_56 = tpu.memref_squeeze %dma_wait3A_55 : memref<1x1x576xi32, #tpu.memory_space<hbm>> -> memref<576xi32, #tpu.memory_space<hbm>>
        tpu.wait_dma2 semaphore(%run_scoped3A_44 : memref<!tpu.dma_semaphore, #tpu.memory_space<semaphore_mem>>) src(%dma_wait3A_56 : memref<576xi32, #tpu.memory_space<hbm>>) dst(%arg5 : memref<576xi32, #tpu.memory_space<vmem>>)
        tpu.yield
      }) : () -> ()
      %dma_start3A = tpu.memref_slice %arg5[%mul3A_32] : memref<576xi32, #tpu.memory_space<vmem>> -> memref<128xi32, #tpu.memory_space<vmem>>
      %dma_start3A_36 = arith.constant 0 : i32
      %dma_start3A_37 = arith.constant 0 : i32
      %dma_start3A_38 = tpu.memref_slice %arg2[%dma_start3A_36, %dma_start3A_37] : memref<512x128xf32, #tpu.memory_space<hbm>> -> memref<512x128xf32, #tpu.memory_space<hbm>>
      tpu.enqueue_indirect_dma source(%dma_start3A_38 : memref<512x128xf32, #tpu.memory_space<hbm>>) target(%arg6 : memref<128x128xf32, #tpu.memory_space<vmem>>) offsets(%dma_start3A : memref<128xi32, #tpu.memory_space<vmem>>) semaphore(%arg8 : memref<!tpu.dma_semaphore, #tpu.memory_space<semaphore_mem>>)
      %dma_wait3A = tpu.memref_slice %arg5[%mul3A_32] : memref<576xi32, #tpu.memory_space<vmem>> -> memref<128xi32, #tpu.memory_space<vmem>>
      %dma_wait3A_39 = arith.constant 0 : i32
      %dma_wait3A_40 = arith.constant 0 : i32
      %dma_wait3A_41 = tpu.memref_slice %arg2[%dma_wait3A_39, %dma_wait3A_40] : memref<512x128xf32, #tpu.memory_space<hbm>> -> memref<512x128xf32, #tpu.memory_space<hbm>>
      tpu.wait_indirect_dma semaphore(%arg8 : memref<!tpu.dma_semaphore, #tpu.memory_space<semaphore_mem>>) src(%dma_wait3A_41 : memref<512x128xf32, #tpu.memory_space<hbm>>) dst(%arg6 : memref<128x128xf32, #tpu.memory_space<vmem>>)
      %iota3A = tpu.iota {dimensions = array<i32: 0>} : vector<16xi32>
      %parallel_loop3A = arith.constant 0 : i32
      %parallel_loop3A_42 = arith.constant 32 : i32
      %parallel_loop3A_43 = arith.constant 1 : i32
      scf.for %parallel_loop3A_44 = %parallel_loop3A to %parallel_loop3A_42 step %parallel_loop3A_43  : i32 {
        %parallel_loop3A_45 = arith.constant 4 : i32
        %parallel_loop3A_46 = arith.divsi %parallel_loop3A_44, %parallel_loop3A_45 : i32
        %parallel_loop3A_47 = arith.constant 0 : i32
        %parallel_loop3A_48 = arith.cmpi sgt, %parallel_loop3A_44, %parallel_loop3A_47 : i32
        %parallel_loop3A_49 = arith.extui %parallel_loop3A_48 : i1 to i32
        %parallel_loop3A_50 = arith.constant 0 : i32
        %parallel_loop3A_51 = arith.cmpi slt, %parallel_loop3A_44, %parallel_loop3A_50 : i32
        %parallel_loop3A_52 = arith.extui %parallel_loop3A_51 : i1 to i32
        %parallel_loop3A_53 = arith.subi %parallel_loop3A_49, %parallel_loop3A_52 : i32
        %parallel_loop3A_54 = arith.constant 0 : i32
        %parallel_loop3A_55 = arith.cmpi sgt, %parallel_loop3A_45, %parallel_loop3A_54 : i32
        %parallel_loop3A_56 = arith.extui %parallel_loop3A_55 : i1 to i32
        %parallel_loop3A_57 = arith.constant 0 : i32
        %parallel_loop3A_58 = arith.cmpi slt, %parallel_loop3A_45, %parallel_loop3A_57 : i32
        %parallel_loop3A_59 = arith.extui %parallel_loop3A_58 : i1 to i32
        %parallel_loop3A_60 = arith.subi %parallel_loop3A_56, %parallel_loop3A_59 : i32
        %parallel_loop3A_61 = arith.cmpi ne, %parallel_loop3A_53, %parallel_loop3A_60 : i32
        %parallel_loop3A_62 = arith.remsi %parallel_loop3A_44, %parallel_loop3A_45 : i32
        %parallel_loop3A_63 = arith.constant 0 : i32
        %parallel_loop3A_64 = arith.cmpi ne, %parallel_loop3A_62, %parallel_loop3A_63 : i32
        %parallel_loop3A_65 = arith.andi %parallel_loop3A_61, %parallel_loop3A_64 : i1
        %parallel_loop3A_66 = arith.constant 1 : i32
        %parallel_loop3A_67 = arith.subi %parallel_loop3A_46, %parallel_loop3A_66 : i32
        %parallel_loop3A_68 = arith.select %parallel_loop3A_65, %parallel_loop3A_67, %parallel_loop3A_46 : i32
        %parallel_loop3A_69 = arith.constant 4 : i32
        %parallel_loop3A_70 = arith.constant 0 : i32
        %parallel_loop3A_71 = arith.cmpi eq, %parallel_loop3A_69, %parallel_loop3A_70 : i32
        %parallel_loop3A_72 = arith.constant 1 : i32
        %parallel_loop3A_73 = arith.select %parallel_loop3A_71, %parallel_loop3A_72, %parallel_loop3A_69 : i32
        %parallel_loop3A_74 = arith.remsi %parallel_loop3A_44, %parallel_loop3A_73 : i32
        %parallel_loop3A_75 = arith.constant 0 : i32
        %parallel_loop3A_76 = arith.cmpi ne, %parallel_loop3A_74, %parallel_loop3A_75 : i32
        %parallel_loop3A_77 = arith.constant 0 : i32
        %parallel_loop3A_78 = arith.cmpi slt, %parallel_loop3A_74, %parallel_loop3A_77 : i32
        %parallel_loop3A_79 = arith.constant 0 : i32
        %parallel_loop3A_80 = arith.cmpi slt, %parallel_loop3A_73, %parallel_loop3A_79 : i32
        %parallel_loop3A_81 = arith.xori %parallel_loop3A_78, %parallel_loop3A_80 : i1
        %parallel_loop3A_82 = arith.andi %parallel_loop3A_81, %parallel_loop3A_76 : i1
        %parallel_loop3A_83 = arith.addi %parallel_loop3A_74, %parallel_loop3A_73 : i32
        %parallel_loop3A_84 = arith.select %parallel_loop3A_82, %parallel_loop3A_83, %parallel_loop3A_74 : i32
        %parallel_loop3A_85 = arith.constant 16 : i32
        %parallel_loop3A_86 = arith.muli %parallel_loop3A_84, %parallel_loop3A_85 : i32
        %parallel_loop3A_87 = arith.constant 16 : i32
        %parallel_loop3A_88 = arith.muli %parallel_loop3A_68, %parallel_loop3A_87 : i32
        %parallel_loop3A_89 = vector.broadcast %parallel_loop3A_88 : i32 to vector<16xi32>
        %parallel_loop3A_90 = arith.addi %iota3A, %parallel_loop3A_89 : vector<16xi32>
        %parallel_loop3A_91 = arith.constant 0 : i32
        %parallel_loop3A_92 = vector.broadcast %parallel_loop3A_91 : i32 to vector<16xi32>
        %parallel_loop3A_93 = arith.constant 0 : i32
        %parallel_loop3A_94 = arith.addi %parallel_loop3A_86, %parallel_loop3A_93 : i32
        %parallel_loop3A_95 = vector.broadcast %parallel_loop3A_94 : i32 to vector<16xi32>
        %parallel_loop3A_96 = arith.addi %parallel_loop3A_92, %parallel_loop3A_95 : vector<16xi32>
        %parallel_loop3A_97 = tpu.vector_load_idx %arg6[%parallel_loop3A_90, %parallel_loop3A_96] : memref<128x128xf32, #tpu.memory_space<vmem>>[vector<16xi32>, vector<16xi32>], vector<16xf32>,
        %parallel_loop3A_98 = arith.constant 0 : i32
        %parallel_loop3A_99 = arith.addi %parallel_loop3A_86, %parallel_loop3A_98 : i32
        %parallel_loop3A_100 = arith.constant 16 : i32
        %parallel_loop3A_101 = arith.muli %parallel_loop3A_68, %parallel_loop3A_100 : i32
        %parallel_loop3A_102 = arith.index_cast %parallel_loop3A_99 : i32 to index
        %parallel_loop3A_103 = arith.index_cast %parallel_loop3A_101 : i32 to index
        %parallel_loop3A_104 = tpu.vector_load %arg7[%parallel_loop3A_102, %parallel_loop3A_103] {strides = array<i32>} : memref<64x128xf32, #tpu.memory_space<vmem>>, vector<16xf32>,
        tpu.vector_store %arg7[%parallel_loop3A_102, %parallel_loop3A_103], %parallel_loop3A_97 {strides = array<i32>} : memref<64x128xf32, #tpu.memory_space<vmem>>, vector<16xf32>,
        %parallel_loop3A_105 = arith.constant 0 : i32
        %parallel_loop3A_106 = vector.broadcast %parallel_loop3A_105 : i32 to vector<16xi32>
        %parallel_loop3A_107 = arith.constant 1 : i32
        %parallel_loop3A_108 = arith.addi %parallel_loop3A_86, %parallel_loop3A_107 : i32
        %parallel_loop3A_109 = vector.broadcast %parallel_loop3A_108 : i32 to vector<16xi32>
        %parallel_loop3A_110 = arith.addi %parallel_loop3A_106, %parallel_loop3A_109 : vector<16xi32>
        %parallel_loop3A_111 = tpu.vector_load_idx %arg6[%parallel_loop3A_90, %parallel_loop3A_110] : memref<128x128xf32, #tpu.memory_space<vmem>>[vector<16xi32>, vector<16xi32>], vector<16xf32>,
        %parallel_loop3A_112 = arith.constant 1 : i32
        %parallel_loop3A_113 = arith.addi %parallel_loop3A_86, %parallel_loop3A_112 : i32
        %parallel_loop3A_114 = arith.constant 16 : i32
        %parallel_loop3A_115 = arith.muli %parallel_loop3A_68, %parallel_loop3A_114 : i32
        %parallel_loop3A_116 = arith.index_cast %parallel_loop3A_113 : i32 to index
        %parallel_loop3A_117 = arith.index_cast %parallel_loop3A_115 : i32 to index
        %parallel_loop3A_118 = tpu.vector_load %arg7[%parallel_loop3A_116, %parallel_loop3A_117] {strides = array<i32>} : memref<64x128xf32, #tpu.memory_space<vmem>>, vector<16xf32>,
        tpu.vector_store %arg7[%parallel_loop3A_116, %parallel_loop3A_117], %parallel_loop3A_111 {strides = array<i32>} : memref<64x128xf32, #tpu.memory_space<vmem>>, vector<16xf32>,
        %parallel_loop3A_119 = arith.constant 0 : i32
        %parallel_loop3A_120 = vector.broadcast %parallel_loop3A_119 : i32 to vector<16xi32>
        %parallel_loop3A_121 = arith.constant 2 : i32
        %parallel_loop3A_122 = arith.addi %parallel_loop3A_86, %parallel_loop3A_121 : i32
        %parallel_loop3A_123 = vector.broadcast %parallel_loop3A_122 : i32 to vector<16xi32>
        %parallel_loop3A_124 = arith.addi %parallel_loop3A_120, %parallel_loop3A_123 : vector<16xi32>
        %parallel_loop3A_125 = tpu.vector_load_idx %arg6[%parallel_loop3A_90, %parallel_loop3A_124] : memref<128x128xf32, #tpu.memory_space<vmem>>[vector<16xi32>, vector<16xi32>], vector<16xf32>,
        %parallel_loop3A_126 = arith.constant 2 : i32
        %parallel_loop3A_127 = arith.addi %parallel_loop3A_86, %parallel_loop3A_126 : i32
        %parallel_loop3A_128 = arith.constant 16 : i32
        %parallel_loop3A_129 = arith.muli %parallel_loop3A_68, %parallel_loop3A_128 : i32
        %parallel_loop3A_130 = arith.index_cast %parallel_loop3A_127 : i32 to index
        %parallel_loop3A_131 = arith.index_cast %parallel_loop3A_129 : i32 to index
        %parallel_loop3A_132 = tpu.vector_load %arg7[%parallel_loop3A_130, %parallel_loop3A_131] {strides = array<i32>} : memref<64x128xf32, #tpu.memory_space<vmem>>, vector<16xf32>,
        tpu.vector_store %arg7[%parallel_loop3A_130, %parallel_loop3A_131], %parallel_loop3A_125 {strides = array<i32>} : memref<64x128xf32, #tpu.memory_space<vmem>>, vector<16xf32>,
        %parallel_loop3A_133 = arith.constant 0 : i32
        %parallel_loop3A_134 = vector.broadcast %parallel_loop3A_133 : i32 to vector<16xi32>
        %parallel_loop3A_135 = arith.constant 3 : i32
        %parallel_loop3A_136 = arith.addi %parallel_loop3A_86, %parallel_loop3A_135 : i32
        %parallel_loop3A_137 = vector.broadcast %parallel_loop3A_136 : i32 to vector<16xi32>
        %parallel_loop3A_138 = arith.addi %parallel_loop3A_134, %parallel_loop3A_137 : vector<16xi32>
        %parallel_loop3A_139 = tpu.vector_load_idx %arg6[%parallel_loop3A_90, %parallel_loop3A_138] : memref<128x128xf32, #tpu.memory_space<vmem>>[vector<16xi32>, vector<16xi32>], vector<16xf32>,
        %parallel_loop3A_140 = arith.constant 3 : i32
        %parallel_loop3A_141 = arith.addi %parallel_loop3A_86, %parallel_loop3A_140 : i32
        %parallel_loop3A_142 = arith.constant 16 : i32
        %parallel_loop3A_143 = arith.muli %parallel_loop3A_68, %parallel_loop3A_142 : i32
        %parallel_loop3A_144 = arith.index_cast %parallel_loop3A_141 : i32 to index
        %parallel_loop3A_145 = arith.index_cast %parallel_loop3A_143 : i32 to index
        %parallel_loop3A_146 = tpu.vector_load %arg7[%parallel_loop3A_144, %parallel_loop3A_145] {strides = array<i32>} : memref<64x128xf32, #tpu.memory_space<vmem>>, vector<16xf32>,
        tpu.vector_store %arg7[%parallel_loop3A_144, %parallel_loop3A_145], %parallel_loop3A_139 {strides = array<i32>} : memref<64x128xf32, #tpu.memory_space<vmem>>, vector<16xf32>,
        %parallel_loop3A_147 = arith.constant 0 : i32
        %parallel_loop3A_148 = vector.broadcast %parallel_loop3A_147 : i32 to vector<16xi32>
        %parallel_loop3A_149 = arith.constant 4 : i32
        %parallel_loop3A_150 = arith.addi %parallel_loop3A_86, %parallel_loop3A_149 : i32
        %parallel_loop3A_151 = vector.broadcast %parallel_loop3A_150 : i32 to vector<16xi32>
        %parallel_loop3A_152 = arith.addi %parallel_loop3A_148, %parallel_loop3A_151 : vector<16xi32>
        %parallel_loop3A_153 = tpu.vector_load_idx %arg6[%parallel_loop3A_90, %parallel_loop3A_152] : memref<128x128xf32, #tpu.memory_space<vmem>>[vector<16xi32>, vector<16xi32>], vector<16xf32>,
        %parallel_loop3A_154 = arith.constant 4 : i32
        %parallel_loop3A_155 = arith.addi %parallel_loop3A_86, %parallel_loop3A_154 : i32
        %parallel_loop3A_156 = arith.constant 16 : i32
        %parallel_loop3A_157 = arith.muli %parallel_loop3A_68, %parallel_loop3A_156 : i32
        %parallel_loop3A_158 = arith.index_cast %parallel_loop3A_155 : i32 to index
        %parallel_loop3A_159 = arith.index_cast %parallel_loop3A_157 : i32 to index
        %parallel_loop3A_160 = tpu.vector_load %arg7[%parallel_loop3A_158, %parallel_loop3A_159] {strides = array<i32>} : memref<64x128xf32, #tpu.memory_space<vmem>>, vector<16xf32>,
        tpu.vector_store %arg7[%parallel_loop3A_158, %parallel_loop3A_159], %parallel_loop3A_153 {strides = array<i32>} : memref<64x128xf32, #tpu.memory_space<vmem>>, vector<16xf32>,
        %parallel_loop3A_161 = arith.constant 0 : i32
        %parallel_loop3A_162 = vector.broadcast %parallel_loop3A_161 : i32 to vector<16xi32>
        %parallel_loop3A_163 = arith.constant 5 : i32
        %parallel_loop3A_164 = arith.addi %parallel_loop3A_86, %parallel_loop3A_163 : i32
        %parallel_loop3A_165 = vector.broadcast %parallel_loop3A_164 : i32 to vector<16xi32>
        %parallel_loop3A_166 = arith.addi %parallel_loop3A_162, %parallel_loop3A_165 : vector<16xi32>
        %parallel_loop3A_167 = tpu.vector_load_idx %arg6[%parallel_loop3A_90, %parallel_loop3A_166] : memref<128x128xf32, #tpu.memory_space<vmem>>[vector<16xi32>, vector<16xi32>], vector<16xf32>,
        %parallel_loop3A_168 = arith.constant 5 : i32
        %parallel_loop3A_169 = arith.addi %parallel_loop3A_86, %parallel_loop3A_168 : i32
        %parallel_loop3A_170 = arith.constant 16 : i32
        %parallel_loop3A_171 = arith.muli %parallel_loop3A_68, %parallel_loop3A_170 : i32
        %parallel_loop3A_172 = arith.index_cast %parallel_loop3A_169 : i32 to index
        %parallel_loop3A_173 = arith.index_cast %parallel_loop3A_171 : i32 to index
        %parallel_loop3A_174 = tpu.vector_load %arg7[%parallel_loop3A_172, %parallel_loop3A_173] {strides = array<i32>} : memref<64x128xf32, #tpu.memory_space<vmem>>, vector<16xf32>,
        tpu.vector_store %arg7[%parallel_loop3A_172, %parallel_loop3A_173], %parallel_loop3A_167 {strides = array<i32>} : memref<64x128xf32, #tpu.memory_space<vmem>>, vector<16xf32>,
        %parallel_loop3A_175 = arith.constant 0 : i32
        %parallel_loop3A_176 = vector.broadcast %parallel_loop3A_175 : i32 to vector<16xi32>
        %parallel_loop3A_177 = arith.constant 6 : i32
        %parallel_loop3A_178 = arith.addi %parallel_loop3A_86, %parallel_loop3A_177 : i32
        %parallel_loop3A_179 = vector.broadcast %parallel_loop3A_178 : i32 to vector<16xi32>
        %parallel_loop3A_180 = arith.addi %parallel_loop3A_176, %parallel_loop3A_179 : vector<16xi32>
        %parallel_loop3A_181 = tpu.vector_load_idx %arg6[%parallel_loop3A_90, %parallel_loop3A_180] : memref<128x128xf32, #tpu.memory_space<vmem>>[vector<16xi32>, vector<16xi32>], vector<16xf32>,
        %parallel_loop3A_182 = arith.constant 6 : i32
        %parallel_loop3A_183 = arith.addi %parallel_loop3A_86, %parallel_loop3A_182 : i32
        %parallel_loop3A_184 = arith.constant 16 : i32
        %parallel_loop3A_185 = arith.muli %parallel_loop3A_68, %parallel_loop3A_184 : i32
        %parallel_loop3A_186 = arith.index_cast %parallel_loop3A_183 : i32 to index
        %parallel_loop3A_187 = arith.index_cast %parallel_loop3A_185 : i32 to index
        %parallel_loop3A_188 = tpu.vector_load %arg7[%parallel_loop3A_186, %parallel_loop3A_187] {strides = array<i32>} : memref<64x128xf32, #tpu.memory_space<vmem>>, vector<16xf32>,
        tpu.vector_store %arg7[%parallel_loop3A_186, %parallel_loop3A_187], %parallel_loop3A_181 {strides = array<i32>} : memref<64x128xf32, #tpu.memory_space<vmem>>, vector<16xf32>,
        %parallel_loop3A_189 = arith.constant 0 : i32
        %parallel_loop3A_190 = vector.broadcast %parallel_loop3A_189 : i32 to vector<16xi32>
        %parallel_loop3A_191 = arith.constant 7 : i32
        %parallel_loop3A_192 = arith.addi %parallel_loop3A_86, %parallel_loop3A_191 : i32
        %parallel_loop3A_193 = vector.broadcast %parallel_loop3A_192 : i32 to vector<16xi32>
        %parallel_loop3A_194 = arith.addi %parallel_loop3A_190, %parallel_loop3A_193 : vector<16xi32>
        %parallel_loop3A_195 = tpu.vector_load_idx %arg6[%parallel_loop3A_90, %parallel_loop3A_194] : memref<128x128xf32, #tpu.memory_space<vmem>>[vector<16xi32>, vector<16xi32>], vector<16xf32>,
        %parallel_loop3A_196 = arith.constant 7 : i32
        %parallel_loop3A_197 = arith.addi %parallel_loop3A_86, %parallel_loop3A_196 : i32
        %parallel_loop3A_198 = arith.constant 16 : i32
        %parallel_loop3A_199 = arith.muli %parallel_loop3A_68, %parallel_loop3A_198 : i32
        %parallel_loop3A_200 = arith.index_cast %parallel_loop3A_197 : i32 to index
        %parallel_loop3A_201 = arith.index_cast %parallel_loop3A_199 : i32 to index
        %parallel_loop3A_202 = tpu.vector_load %arg7[%parallel_loop3A_200, %parallel_loop3A_201] {strides = array<i32>} : memref<64x128xf32, #tpu.memory_space<vmem>>, vector<16xf32>,
        tpu.vector_store %arg7[%parallel_loop3A_200, %parallel_loop3A_201], %parallel_loop3A_195 {strides = array<i32>} : memref<64x128xf32, #tpu.memory_space<vmem>>, vector<16xf32>,
        %parallel_loop3A_203 = arith.constant 0 : i32
        %parallel_loop3A_204 = vector.broadcast %parallel_loop3A_203 : i32 to vector<16xi32>
        %parallel_loop3A_205 = arith.constant 8 : i32
        %parallel_loop3A_206 = arith.addi %parallel_loop3A_86, %parallel_loop3A_205 : i32
        %parallel_loop3A_207 = vector.broadcast %parallel_loop3A_206 : i32 to vector<16xi32>
        %parallel_loop3A_208 = arith.addi %parallel_loop3A_204, %parallel_loop3A_207 : vector<16xi32>
        %parallel_loop3A_209 = tpu.vector_load_idx %arg6[%parallel_loop3A_90, %parallel_loop3A_208] : memref<128x128xf32, #tpu.memory_space<vmem>>[vector<16xi32>, vector<16xi32>], vector<16xf32>,
        %parallel_loop3A_210 = arith.constant 8 : i32
        %parallel_loop3A_211 = arith.addi %parallel_loop3A_86, %parallel_loop3A_210 : i32
        %parallel_loop3A_212 = arith.constant 16 : i32
        %parallel_loop3A_213 = arith.muli %parallel_loop3A_68, %parallel_loop3A_212 : i32
        %parallel_loop3A_214 = arith.index_cast %parallel_loop3A_211 : i32 to index
        %parallel_loop3A_215 = arith.index_cast %parallel_loop3A_213 : i32 to index
        %parallel_loop3A_216 = tpu.vector_load %arg7[%parallel_loop3A_214, %parallel_loop3A_215] {strides = array<i32>} : memref<64x128xf32, #tpu.memory_space<vmem>>, vector<16xf32>,
        tpu.vector_store %arg7[%parallel_loop3A_214, %parallel_loop3A_215], %parallel_loop3A_209 {strides = array<i32>} : memref<64x128xf32, #tpu.memory_space<vmem>>, vector<16xf32>,
        %parallel_loop3A_217 = arith.constant 0 : i32
        %parallel_loop3A_218 = vector.broadcast %parallel_loop3A_217 : i32 to vector<16xi32>
        %parallel_loop3A_219 = arith.constant 9 : i32
        %parallel_loop3A_220 = arith.addi %parallel_loop3A_86, %parallel_loop3A_219 : i32
        %parallel_loop3A_221 = vector.broadcast %parallel_loop3A_220 : i32 to vector<16xi32>
        %parallel_loop3A_222 = arith.addi %parallel_loop3A_218, %parallel_loop3A_221 : vector<16xi32>
        %parallel_loop3A_223 = tpu.vector_load_idx %arg6[%parallel_loop3A_90, %parallel_loop3A_222] : memref<128x128xf32, #tpu.memory_space<vmem>>[vector<16xi32>, vector<16xi32>], vector<16xf32>,
        %parallel_loop3A_224 = arith.constant 9 : i32
        %parallel_loop3A_225 = arith.addi %parallel_loop3A_86, %parallel_loop3A_224 : i32
        %parallel_loop3A_226 = arith.constant 16 : i32
        %parallel_loop3A_227 = arith.muli %parallel_loop3A_68, %parallel_loop3A_226 : i32
        %parallel_loop3A_228 = arith.index_cast %parallel_loop3A_225 : i32 to index
        %parallel_loop3A_229 = arith.index_cast %parallel_loop3A_227 : i32 to index
        %parallel_loop3A_230 = tpu.vector_load %arg7[%parallel_loop3A_228, %parallel_loop3A_229] {strides = array<i32>} : memref<64x128xf32, #tpu.memory_space<vmem>>, vector<16xf32>,
        tpu.vector_store %arg7[%parallel_loop3A_228, %parallel_loop3A_229], %parallel_loop3A_223 {strides = array<i32>} : memref<64x128xf32, #tpu.memory_space<vmem>>, vector<16xf32>,
        %parallel_loop3A_231 = arith.constant 0 : i32
        %parallel_loop3A_232 = vector.broadcast %parallel_loop3A_231 : i32 to vector<16xi32>
        %parallel_loop3A_233 = arith.constant 10 : i32
        %parallel_loop3A_234 = arith.addi %parallel_loop3A_86, %parallel_loop3A_233 : i32
        %parallel_loop3A_235 = vector.broadcast %parallel_loop3A_234 : i32 to vector<16xi32>
        %parallel_loop3A_236 = arith.addi %parallel_loop3A_232, %parallel_loop3A_235 : vector<16xi32>
        %parallel_loop3A_237 = tpu.vector_load_idx %arg6[%parallel_loop3A_90, %parallel_loop3A_236] : memref<128x128xf32, #tpu.memory_space<vmem>>[vector<16xi32>, vector<16xi32>], vector<16xf32>,
        %parallel_loop3A_238 = arith.constant 10 : i32
        %parallel_loop3A_239 = arith.addi %parallel_loop3A_86, %parallel_loop3A_238 : i32
        %parallel_loop3A_240 = arith.constant 16 : i32
        %parallel_loop3A_241 = arith.muli %parallel_loop3A_68, %parallel_loop3A_240 : i32
        %parallel_loop3A_242 = arith.index_cast %parallel_loop3A_239 : i32 to index
        %parallel_loop3A_243 = arith.index_cast %parallel_loop3A_241 : i32 to index
        %parallel_loop3A_244 = tpu.vector_load %arg7[%parallel_loop3A_242, %parallel_loop3A_243] {strides = array<i32>} : memref<64x128xf32, #tpu.memory_space<vmem>>, vector<16xf32>,
        tpu.vector_store %arg7[%parallel_loop3A_242, %parallel_loop3A_243], %parallel_loop3A_237 {strides = array<i32>} : memref<64x128xf32, #tpu.memory_space<vmem>>, vector<16xf32>,
        %parallel_loop3A_245 = arith.constant 0 : i32
        %parallel_loop3A_246 = vector.broadcast %parallel_loop3A_245 : i32 to vector<16xi32>
        %parallel_loop3A_247 = arith.constant 11 : i32
        %parallel_loop3A_248 = arith.addi %parallel_loop3A_86, %parallel_loop3A_247 : i32
        %parallel_loop3A_249 = vector.broadcast %parallel_loop3A_248 : i32 to vector<16xi32>
        %parallel_loop3A_250 = arith.addi %parallel_loop3A_246, %parallel_loop3A_249 : vector<16xi32>
        %parallel_loop3A_251 = tpu.vector_load_idx %arg6[%parallel_loop3A_90, %parallel_loop3A_250] : memref<128x128xf32, #tpu.memory_space<vmem>>[vector<16xi32>, vector<16xi32>], vector<16xf32>,
        %parallel_loop3A_252 = arith.constant 11 : i32
        %parallel_loop3A_253 = arith.addi %parallel_loop3A_86, %parallel_loop3A_252 : i32
        %parallel_loop3A_254 = arith.constant 16 : i32
        %parallel_loop3A_255 = arith.muli %parallel_loop3A_68, %parallel_loop3A_254 : i32
        %parallel_loop3A_256 = arith.index_cast %parallel_loop3A_253 : i32 to index
        %parallel_loop3A_257 = arith.index_cast %parallel_loop3A_255 : i32 to index
        %parallel_loop3A_258 = tpu.vector_load %arg7[%parallel_loop3A_256, %parallel_loop3A_257] {strides = array<i32>} : memref<64x128xf32, #tpu.memory_space<vmem>>, vector<16xf32>,
        tpu.vector_store %arg7[%parallel_loop3A_256, %parallel_loop3A_257], %parallel_loop3A_251 {strides = array<i32>} : memref<64x128xf32, #tpu.memory_space<vmem>>, vector<16xf32>,
        %parallel_loop3A_259 = arith.constant 0 : i32
        %parallel_loop3A_260 = vector.broadcast %parallel_loop3A_259 : i32 to vector<16xi32>
        %parallel_loop3A_261 = arith.constant 12 : i32
        %parallel_loop3A_262 = arith.addi %parallel_loop3A_86, %parallel_loop3A_261 : i32
        %parallel_loop3A_263 = vector.broadcast %parallel_loop3A_262 : i32 to vector<16xi32>
        %parallel_loop3A_264 = arith.addi %parallel_loop3A_260, %parallel_loop3A_263 : vector<16xi32>
        %parallel_loop3A_265 = tpu.vector_load_idx %arg6[%parallel_loop3A_90, %parallel_loop3A_264] : memref<128x128xf32, #tpu.memory_space<vmem>>[vector<16xi32>, vector<16xi32>], vector<16xf32>,
        %parallel_loop3A_266 = arith.constant 12 : i32
        %parallel_loop3A_267 = arith.addi %parallel_loop3A_86, %parallel_loop3A_266 : i32
        %parallel_loop3A_268 = arith.constant 16 : i32
        %parallel_loop3A_269 = arith.muli %parallel_loop3A_68, %parallel_loop3A_268 : i32
        %parallel_loop3A_270 = arith.index_cast %parallel_loop3A_267 : i32 to index
        %parallel_loop3A_271 = arith.index_cast %parallel_loop3A_269 : i32 to index
        %parallel_loop3A_272 = tpu.vector_load %arg7[%parallel_loop3A_270, %parallel_loop3A_271] {strides = array<i32>} : memref<64x128xf32, #tpu.memory_space<vmem>>, vector<16xf32>,
        tpu.vector_store %arg7[%parallel_loop3A_270, %parallel_loop3A_271], %parallel_loop3A_265 {strides = array<i32>} : memref<64x128xf32, #tpu.memory_space<vmem>>, vector<16xf32>,
        %parallel_loop3A_273 = arith.constant 0 : i32
        %parallel_loop3A_274 = vector.broadcast %parallel_loop3A_273 : i32 to vector<16xi32>
        %parallel_loop3A_275 = arith.constant 13 : i32
        %parallel_loop3A_276 = arith.addi %parallel_loop3A_86, %parallel_loop3A_275 : i32
        %parallel_loop3A_277 = vector.broadcast %parallel_loop3A_276 : i32 to vector<16xi32>
        %parallel_loop3A_278 = arith.addi %parallel_loop3A_274, %parallel_loop3A_277 : vector<16xi32>
        %parallel_loop3A_279 = tpu.vector_load_idx %arg6[%parallel_loop3A_90, %parallel_loop3A_278] : memref<128x128xf32, #tpu.memory_space<vmem>>[vector<16xi32>, vector<16xi32>], vector<16xf32>,
        %parallel_loop3A_280 = arith.constant 13 : i32
        %parallel_loop3A_281 = arith.addi %parallel_loop3A_86, %parallel_loop3A_280 : i32
        %parallel_loop3A_282 = arith.constant 16 : i32
        %parallel_loop3A_283 = arith.muli %parallel_loop3A_68, %parallel_loop3A_282 : i32
        %parallel_loop3A_284 = arith.index_cast %parallel_loop3A_281 : i32 to index
        %parallel_loop3A_285 = arith.index_cast %parallel_loop3A_283 : i32 to index
        %parallel_loop3A_286 = tpu.vector_load %arg7[%parallel_loop3A_284, %parallel_loop3A_285] {strides = array<i32>} : memref<64x128xf32, #tpu.memory_space<vmem>>, vector<16xf32>,
        tpu.vector_store %arg7[%parallel_loop3A_284, %parallel_loop3A_285], %parallel_loop3A_279 {strides = array<i32>} : memref<64x128xf32, #tpu.memory_space<vmem>>, vector<16xf32>,
        %parallel_loop3A_287 = arith.constant 0 : i32
        %parallel_loop3A_288 = vector.broadcast %parallel_loop3A_287 : i32 to vector<16xi32>
        %parallel_loop3A_289 = arith.constant 14 : i32
        %parallel_loop3A_290 = arith.addi %parallel_loop3A_86, %parallel_loop3A_289 : i32
        %parallel_loop3A_291 = vector.broadcast %parallel_loop3A_290 : i32 to vector<16xi32>
        %parallel_loop3A_292 = arith.addi %parallel_loop3A_288, %parallel_loop3A_291 : vector<16xi32>
        %parallel_loop3A_293 = tpu.vector_load_idx %arg6[%parallel_loop3A_90, %parallel_loop3A_292] : memref<128x128xf32, #tpu.memory_space<vmem>>[vector<16xi32>, vector<16xi32>], vector<16xf32>,
        %parallel_loop3A_294 = arith.constant 14 : i32
        %parallel_loop3A_295 = arith.addi %parallel_loop3A_86, %parallel_loop3A_294 : i32
        %parallel_loop3A_296 = arith.constant 16 : i32
        %parallel_loop3A_297 = arith.muli %parallel_loop3A_68, %parallel_loop3A_296 : i32
        %parallel_loop3A_298 = arith.index_cast %parallel_loop3A_295 : i32 to index
        %parallel_loop3A_299 = arith.index_cast %parallel_loop3A_297 : i32 to index
        %parallel_loop3A_300 = tpu.vector_load %arg7[%parallel_loop3A_298, %parallel_loop3A_299] {strides = array<i32>} : memref<64x128xf32, #tpu.memory_space<vmem>>, vector<16xf32>,
        tpu.vector_store %arg7[%parallel_loop3A_298, %parallel_loop3A_299], %parallel_loop3A_293 {strides = array<i32>} : memref<64x128xf32, #tpu.memory_space<vmem>>, vector<16xf32>,
        %parallel_loop3A_301 = arith.constant 0 : i32
        %parallel_loop3A_302 = vector.broadcast %parallel_loop3A_301 : i32 to vector<16xi32>
        %parallel_loop3A_303 = arith.constant 15 : i32
        %parallel_loop3A_304 = arith.addi %parallel_loop3A_86, %parallel_loop3A_303 : i32
        %parallel_loop3A_305 = vector.broadcast %parallel_loop3A_304 : i32 to vector<16xi32>
        %parallel_loop3A_306 = arith.addi %parallel_loop3A_302, %parallel_loop3A_305 : vector<16xi32>
        %parallel_loop3A_307 = tpu.vector_load_idx %arg6[%parallel_loop3A_90, %parallel_loop3A_306] : memref<128x128xf32, #tpu.memory_space<vmem>>[vector<16xi32>, vector<16xi32>], vector<16xf32>,
        %parallel_loop3A_308 = arith.constant 15 : i32
        %parallel_loop3A_309 = arith.addi %parallel_loop3A_86, %parallel_loop3A_308 : i32
        %parallel_loop3A_310 = arith.constant 16 : i32
        %parallel_loop3A_311 = arith.muli %parallel_loop3A_68, %parallel_loop3A_310 : i32
        %parallel_loop3A_312 = arith.index_cast %parallel_loop3A_309 : i32 to index
        %parallel_loop3A_313 = arith.index_cast %parallel_loop3A_311 : i32 to index
        %parallel_loop3A_314 = tpu.vector_load %arg7[%parallel_loop3A_312, %parallel_loop3A_313] {strides = array<i32>} : memref<64x128xf32, #tpu.memory_space<vmem>>, vector<16xf32>,
        tpu.vector_store %arg7[%parallel_loop3A_312, %parallel_loop3A_313], %parallel_loop3A_307 {strides = array<i32>} : memref<64x128xf32, #tpu.memory_space<vmem>>, vector<16xf32>,
      } {sc.loop_unroll_factor = 2 : i64, sc.parallel_access}
      "tpu.region"() ({
        %run_scoped3A_44 = tpu.sem_alloc : memref<!tpu.dma_semaphore, #tpu.memory_space<semaphore_mem>>
        %dma_start3A_45 = arith.constant 0 : i32
        %dma_start3A_46 = tpu.memref_slice %arg4[%select_n3A, %dma_start3A_45, %mul3A_32] : memref<4x64x512xf32, #tpu.memory_space<hbm>> -> memref<1x64x128xf32, #tpu.memory_space<hbm>>
        %dma_start3A_47 = tpu.memref_squeeze %dma_start3A_46 : memref<1x64x128xf32, #tpu.memory_space<hbm>> -> memref<64x128xf32, #tpu.memory_space<hbm>>
        %dma_start3A_48 = arith.constant 0 : i32
        %dma_start3A_49 = tpu.memref_slice %arg4[%select_n3A, %dma_start3A_48, %mul3A_32] : memref<4x64x512xf32, #tpu.memory_space<hbm>> -> memref<1x64x128xf32, #tpu.memory_space<hbm>>
        %dma_start3A_50 = tpu.memref_squeeze %dma_start3A_49 : memref<1x64x128xf32, #tpu.memory_space<hbm>> -> memref<64x128xf32, #tpu.memory_space<hbm>>
        tpu.enqueue_dma source(%arg7 : memref<64x128xf32, #tpu.memory_space<vmem>>) target(%dma_start3A_50 : memref<64x128xf32, #tpu.memory_space<hbm>>) target_semaphore(%run_scoped3A_44 : memref<!tpu.dma_semaphore, #tpu.memory_space<semaphore_mem>>)
        %dma_wait3A_51 = arith.constant 0 : i32
        %dma_wait3A_52 = tpu.memref_slice %arg4[%select_n3A, %dma_wait3A_51, %mul3A_32] : memref<4x64x512xf32, #tpu.memory_space<hbm>> -> memref<1x64x128xf32, #tpu.memory_space<hbm>>
        %dma_wait3A_53 = tpu.memref_squeeze %dma_wait3A_52 : memref<1x64x128xf32, #tpu.memory_space<hbm>> -> memref<64x128xf32, #tpu.memory_space<hbm>>
        %dma_wait3A_54 = arith.constant 0 : i32
        %dma_wait3A_55 = tpu.memref_slice %arg4[%select_n3A, %dma_wait3A_54, %mul3A_32] : memref<4x64x512xf32, #tpu.memory_space<hbm>> -> memref<1x64x128xf32, #tpu.memory_space<hbm>>
        %dma_wait3A_56 = tpu.memref_squeeze %dma_wait3A_55 : memref<1x64x128xf32, #tpu.memory_space<hbm>> -> memref<64x128xf32, #tpu.memory_space<hbm>>
        tpu.wait_dma2 semaphore(%run_scoped3A_44 : memref<!tpu.dma_semaphore, #tpu.memory_space<semaphore_mem>>) src(%arg7 : memref<64x128xf32, #tpu.memory_space<vmem>>) dst(%dma_wait3A_56 : memref<64x128xf32, #tpu.memory_space<hbm>>)
        tpu.yield
      }) : () -> ()
    } else {
    }
    return
  }
}

module attributes {stable_mosaic.version = 14 : i64} {
  func.func @_vq_tc_kernel(%arg0: memref<4x64x576xf32, #tpu.memory_space<vmem>>, %arg1: memref<512x64xf32, #tpu.memory_space<vmem>>, %arg2: memref<4x1x576xi32, #tpu.memory_space<vmem>>, %arg3: memref<4x64x64xf32, #tpu.memory_space<vmem>>, %arg4: memref<1x1xf32, #tpu.memory_space<vmem>>) attributes {dimension_semantics = [], scalar_prefetch = 0 : i64, scratch_operands = 0 : i64, tpu.core_type = #tpu.core_type<tc>} {
    %get3A = arith.constant 0 : index
    %get3A_0 = arith.constant 0 : index
    %get3A_1 = vector.load %arg1[%get3A, %get3A_0] : memref<512x64xf32, #tpu.memory_space<vmem>>, vector<512x64xf32>
    %mul3A = arith.mulf %get3A_1, %get3A_1 : vector<512x64xf32>
    %reduce_sum3A = arith.constant dense<0.000000e+00> : vector<512xf32>
    %reduce_sum3A_2 = vector.multi_reduction <add>, %mul3A, %reduce_sum3A [1] : vector<512x64xf32> to vector<512xf32>
    %broadcast_in_dim3A = vector.shape_cast %reduce_sum3A_2 : vector<512xf32> to vector<512x1xf32>
    %iota3A = tpu.iota {dimensions = array<i32: 0>} : vector<512x576xi32>
    %broadcast_in_dim3A_3 = arith.constant 0.000000e+00 : f32
    %broadcast_in_dim3A_4 = vector.broadcast %broadcast_in_dim3A_3 : f32 to vector<1x1xf32>
    %get3A_5 = arith.constant 0 : index
    %get3A_6 = arith.constant 0 : index
    %get3A_7 = arith.constant 0 : index
    %get3A_8 = vector.load %arg0[%get3A_5, %get3A_6, %get3A_7] : memref<4x64x576xf32, #tpu.memory_space<vmem>>, vector<1x64x576xf32>
    %get3A_9 = vector.shape_cast %get3A_8 : vector<1x64x576xf32> to vector<64x576xf32>
    %dot_general3A = arith.constant dense<0.000000e+00> : vector<512x576xf32>
    %dot_general3A_10 = tpu.matmul %get3A_1, %get3A_9, %dot_general3A {dimension_numbers = #tpu.dot_dimension_numbers<[1], [0], [0], [1], [0, 0, 1, 1], [], []>, precision = #tpu.contract_precision<fp32>, transpose_lhs_hint = false} : vector<512x64xf32>, vector<64x576xf32>, vector<512x576xf32> -> vector<512x576xf32>
    %mul3A_11 = arith.constant 2.000000e+00 : f32
    %mul3A_12 = vector.broadcast %mul3A_11 : f32 to vector<512x576xf32>
    %mul3A_13 = arith.mulf %mul3A_12, %dot_general3A_10 : vector<512x576xf32>
    %sub3A = vector.broadcast %broadcast_in_dim3A : vector<512x1xf32> to vector<512x576xf32>
    %sub3A_14 = arith.subf %sub3A, %mul3A_13 : vector<512x576xf32>
    %reduce_min3A = arith.constant dense<0x7F800000> : vector<576xf32>
    %reduce_min3A_15 = vector.multi_reduction <minimumf>, %sub3A_14, %reduce_min3A [0] : vector<512x576xf32> to vector<576xf32>
    %broadcast_in_dim3A_16 = vector.shape_cast %reduce_min3A_15 : vector<576xf32> to vector<1x576xf32>
    %eq3A = vector.broadcast %broadcast_in_dim3A_16 : vector<1x576xf32> to vector<512x576xf32>
    %eq3A_17 = arith.cmpf oeq, %sub3A_14, %eq3A : vector<512x576xf32>
    %jit3A = arith.constant 512 : i32
    %broadcast_in_dim3A_18 = vector.broadcast %jit3A : i32 to vector<512x576xi32>
    %select_n3A = arith.select %eq3A_17, %iota3A, %broadcast_in_dim3A_18 : vector<512x576xi1>, vector<512x576xi32>
    %reduce_min3A_19 = arith.constant dense<2147483647> : vector<576xi32>
    %reduce_min3A_20 = vector.multi_reduction <minsi>, %select_n3A, %reduce_min3A_19 [0] : vector<512x576xi32> to vector<576xi32>
    %broadcast_in_dim3A_21 = vector.shape_cast %reduce_min3A_20 : vector<576xi32> to vector<1x576xi32>
    %eq3A_22 = vector.broadcast %broadcast_in_dim3A_21 : vector<1x576xi32> to vector<512x576xi32>
    %eq3A_23 = arith.cmpi eq, %iota3A, %eq3A_22 : vector<512x576xi32>
    %convert_element_type3A = arith.extui %eq3A_23 : vector<512x576xi1> to vector<512x576xi32>
    %convert_element_type3A_24 = arith.sitofp %convert_element_type3A : vector<512x576xi32> to vector<512x576xf32>
    %dot_general3A_25 = arith.constant dense<0.000000e+00> : vector<64x576xf32>
    %dot_general3A_26 = tpu.matmul %get3A_1, %convert_element_type3A_24, %dot_general3A_25 {dimension_numbers = #tpu.dot_dimension_numbers<[0], [0], [1], [1], [0, 1, 1, 1], [], []>, precision = #tpu.contract_precision<fp32>, transpose_lhs_hint = false} : vector<512x64xf32>, vector<512x576xf32>, vector<64x576xf32> -> vector<64x576xf32>
    %eq3A_27 = vector.broadcast %broadcast_in_dim3A_21 : vector<1x576xi32> to vector<512x576xi32>
    %eq3A_28 = arith.cmpi eq, %iota3A, %eq3A_27 : vector<512x576xi32>
    %jit3A_29 = arith.constant 0x7F800000 : f32
    %broadcast_in_dim3A_30 = vector.broadcast %jit3A_29 : f32 to vector<512x576xf32>
    %select_n3A_31 = arith.select %eq3A_28, %broadcast_in_dim3A_30, %sub3A_14 : vector<512x576xi1>, vector<512x576xf32>
    %reduce_min3A_32 = arith.constant dense<0x7F800000> : vector<576xf32>
    %reduce_min3A_33 = vector.multi_reduction <minimumf>, %select_n3A_31, %reduce_min3A_32 [0] : vector<512x576xf32> to vector<576xf32>
    %broadcast_in_dim3A_34 = vector.shape_cast %reduce_min3A_33 : vector<576xf32> to vector<1x576xf32>
    %eq3A_35 = vector.broadcast %broadcast_in_dim3A_34 : vector<1x576xf32> to vector<512x576xf32>
    %eq3A_36 = arith.cmpf oeq, %select_n3A_31, %eq3A_35 : vector<512x576xf32>
    %jit3A_37 = arith.constant 512 : i32
    %broadcast_in_dim3A_38 = vector.broadcast %jit3A_37 : i32 to vector<512x576xi32>
    %select_n3A_39 = arith.select %eq3A_36, %iota3A, %broadcast_in_dim3A_38 : vector<512x576xi1>, vector<512x576xi32>
    %reduce_min3A_40 = arith.constant dense<2147483647> : vector<576xi32>
    %reduce_min3A_41 = vector.multi_reduction <minsi>, %select_n3A_39, %reduce_min3A_40 [0] : vector<512x576xi32> to vector<576xi32>
    %broadcast_in_dim3A_42 = vector.shape_cast %reduce_min3A_41 : vector<576xi32> to vector<1x576xi32>
    %eq3A_43 = vector.broadcast %broadcast_in_dim3A_42 : vector<1x576xi32> to vector<512x576xi32>
    %eq3A_44 = arith.cmpi eq, %iota3A, %eq3A_43 : vector<512x576xi32>
    %convert_element_type3A_45 = arith.extui %eq3A_44 : vector<512x576xi1> to vector<512x576xi32>
    %convert_element_type3A_46 = arith.sitofp %convert_element_type3A_45 : vector<512x576xi32> to vector<512x576xf32>
    %dot_general3A_47 = arith.constant dense<0.000000e+00> : vector<64x576xf32>
    %dot_general3A_48 = tpu.matmul %get3A_1, %convert_element_type3A_46, %dot_general3A_47 {dimension_numbers = #tpu.dot_dimension_numbers<[0], [0], [1], [1], [0, 1, 1, 1], [], []>, precision = #tpu.contract_precision<fp32>, transpose_lhs_hint = false} : vector<512x64xf32>, vector<512x576xf32>, vector<64x576xf32> -> vector<64x576xf32>
    %sub3A_49 = arith.subf %get3A_9, %dot_general3A_26 : vector<64x576xf32>
    %integer_pow3A = arith.mulf %sub3A_49, %sub3A_49 : vector<64x576xf32>
    %reduce_sum3A_50 = arith.constant dense<0.000000e+00> : vector<576xf32>
    %reduce_sum3A_51 = vector.multi_reduction <add>, %integer_pow3A, %reduce_sum3A_50 [0] : vector<64x576xf32> to vector<576xf32>
    %broadcast_in_dim3A_52 = vector.shape_cast %reduce_sum3A_51 : vector<576xf32> to vector<1x576xf32>
    %sub3A_53 = arith.subf %get3A_9, %dot_general3A_48 : vector<64x576xf32>
    %integer_pow3A_54 = arith.mulf %sub3A_53, %sub3A_53 : vector<64x576xf32>
    %reduce_sum3A_55 = arith.constant dense<0.000000e+00> : vector<576xf32>
    %reduce_sum3A_56 = vector.multi_reduction <add>, %integer_pow3A_54, %reduce_sum3A_55 [0] : vector<64x576xf32> to vector<576xf32>
    %broadcast_in_dim3A_57 = vector.shape_cast %reduce_sum3A_56 : vector<576xf32> to vector<1x576xf32>
    %lt3A = arith.cmpf olt, %broadcast_in_dim3A_57, %broadcast_in_dim3A_52 : vector<1x576xf32>
    %eq3A_58 = arith.cmpf oeq, %broadcast_in_dim3A_57, %broadcast_in_dim3A_52 : vector<1x576xf32>
    %lt3A_59 = arith.cmpi slt, %broadcast_in_dim3A_42, %broadcast_in_dim3A_21 : vector<1x576xi32>
    %and3A = arith.andi %eq3A_58, %lt3A_59 : vector<1x576xi1>
    %or3A = arith.ori %lt3A, %and3A : vector<1x576xi1>
    %select_n3A_60 = arith.select %or3A, %broadcast_in_dim3A_42, %broadcast_in_dim3A_21 : vector<1x576xi1>, vector<1x576xi32>
    %swap3A = arith.constant 0 : index
    %swap3A_61 = arith.constant 0 : index
    %swap3A_62 = arith.constant 0 : index
    %swap3A_63 = vector.load %arg2[%swap3A, %swap3A_61, %swap3A_62] : memref<4x1x576xi32, #tpu.memory_space<vmem>>, vector<1x1x576xi32>
    %swap3A_64 = vector.shape_cast %swap3A_63 : vector<1x1x576xi32> to vector<1x576xi32>
    %swap3A_65 = vector.shape_cast %select_n3A_60 : vector<1x576xi32> to vector<1x1x576xi32>
    tpu.vector_store %arg2[%swap3A, %swap3A_61, %swap3A_62], %swap3A_65 {strides = array<i32>} : memref<4x1x576xi32, #tpu.memory_space<vmem>>, vector<1x1x576xi32>,
    %slice3A = vector.extract_strided_slice %or3A {offsets = [0, 512], sizes = [1, 64], strides = [1, 1]} : vector<1x576xi1> to vector<1x64xi1>
    %slice3A_66 = vector.extract_strided_slice %dot_general3A_48 {offsets = [0, 512], sizes = [64, 64], strides = [1, 1]} : vector<64x576xf32> to vector<64x64xf32>
    %slice3A_67 = vector.extract_strided_slice %dot_general3A_26 {offsets = [0, 512], sizes = [64, 64], strides = [1, 1]} : vector<64x576xf32> to vector<64x64xf32>
    %broadcast_in_dim3A_68 = vector.shape_cast %slice3A : vector<1x64xi1> to vector<1x64xi1>
    %broadcast_in_dim3A_69 = vector.broadcast %broadcast_in_dim3A_68 : vector<1x64xi1> to vector<64x64xi1>
    %select_n3A_70 = arith.select %broadcast_in_dim3A_69, %slice3A_66, %slice3A_67 : vector<64x64xi1>, vector<64x64xf32>
    %swap3A_71 = arith.constant 0 : index
    %swap3A_72 = arith.constant 0 : index
    %swap3A_73 = arith.constant 0 : index
    %swap3A_74 = vector.load %arg3[%swap3A_71, %swap3A_72, %swap3A_73] : memref<4x64x64xf32, #tpu.memory_space<vmem>>, vector<1x64x64xf32>
    %swap3A_75 = vector.shape_cast %swap3A_74 : vector<1x64x64xf32> to vector<64x64xf32>
    %swap3A_76 = vector.shape_cast %select_n3A_70 : vector<64x64xf32> to vector<1x64x64xf32>
    tpu.vector_store %arg3[%swap3A_71, %swap3A_72, %swap3A_73], %swap3A_76 {strides = array<i32>} : memref<4x64x64xf32, #tpu.memory_space<vmem>>, vector<1x64x64xf32>,
    %select_n3A_77 = arith.select %or3A, %broadcast_in_dim3A_57, %broadcast_in_dim3A_52 : vector<1x576xi1>, vector<1x576xf32>
    %reduce_sum3A_78 = arith.constant dense<0.000000e+00> : vector<1xf32>
    %reduce_sum3A_79 = vector.multi_reduction <add>, %select_n3A_77, %reduce_sum3A_78 [1] : vector<1x576xf32> to vector<1xf32>
    %broadcast_in_dim3A_80 = vector.shape_cast %reduce_sum3A_79 : vector<1xf32> to vector<1x1xf32>
    %add3A = arith.addf %broadcast_in_dim3A_4, %broadcast_in_dim3A_80 : vector<1x1xf32>
    %get3A_81 = arith.constant 1 : index
    %get3A_82 = arith.constant 0 : index
    %get3A_83 = arith.constant 0 : index
    %get3A_84 = vector.load %arg0[%get3A_81, %get3A_82, %get3A_83] : memref<4x64x576xf32, #tpu.memory_space<vmem>>, vector<1x64x576xf32>
    %get3A_85 = vector.shape_cast %get3A_84 : vector<1x64x576xf32> to vector<64x576xf32>
    %dot_general3A_86 = arith.constant dense<0.000000e+00> : vector<512x576xf32>
    %dot_general3A_87 = tpu.matmul %get3A_1, %get3A_85, %dot_general3A_86 {dimension_numbers = #tpu.dot_dimension_numbers<[1], [0], [0], [1], [0, 0, 1, 1], [], []>, precision = #tpu.contract_precision<fp32>, transpose_lhs_hint = false} : vector<512x64xf32>, vector<64x576xf32>, vector<512x576xf32> -> vector<512x576xf32>
    %mul3A_88 = arith.constant 2.000000e+00 : f32
    %mul3A_89 = vector.broadcast %mul3A_88 : f32 to vector<512x576xf32>
    %mul3A_90 = arith.mulf %mul3A_89, %dot_general3A_87 : vector<512x576xf32>
    %sub3A_91 = vector.broadcast %broadcast_in_dim3A : vector<512x1xf32> to vector<512x576xf32>
    %sub3A_92 = arith.subf %sub3A_91, %mul3A_90 : vector<512x576xf32>
    %reduce_min3A_93 = arith.constant dense<0x7F800000> : vector<576xf32>
    %reduce_min3A_94 = vector.multi_reduction <minimumf>, %sub3A_92, %reduce_min3A_93 [0] : vector<512x576xf32> to vector<576xf32>
    %broadcast_in_dim3A_95 = vector.shape_cast %reduce_min3A_94 : vector<576xf32> to vector<1x576xf32>
    %eq3A_96 = vector.broadcast %broadcast_in_dim3A_95 : vector<1x576xf32> to vector<512x576xf32>
    %eq3A_97 = arith.cmpf oeq, %sub3A_92, %eq3A_96 : vector<512x576xf32>
    %jit3A_98 = arith.constant 512 : i32
    %broadcast_in_dim3A_99 = vector.broadcast %jit3A_98 : i32 to vector<512x576xi32>
    %select_n3A_100 = arith.select %eq3A_97, %iota3A, %broadcast_in_dim3A_99 : vector<512x576xi1>, vector<512x576xi32>
    %reduce_min3A_101 = arith.constant dense<2147483647> : vector<576xi32>
    %reduce_min3A_102 = vector.multi_reduction <minsi>, %select_n3A_100, %reduce_min3A_101 [0] : vector<512x576xi32> to vector<576xi32>
    %broadcast_in_dim3A_103 = vector.shape_cast %reduce_min3A_102 : vector<576xi32> to vector<1x576xi32>
    %eq3A_104 = vector.broadcast %broadcast_in_dim3A_103 : vector<1x576xi32> to vector<512x576xi32>
    %eq3A_105 = arith.cmpi eq, %iota3A, %eq3A_104 : vector<512x576xi32>
    %convert_element_type3A_106 = arith.extui %eq3A_105 : vector<512x576xi1> to vector<512x576xi32>
    %convert_element_type3A_107 = arith.sitofp %convert_element_type3A_106 : vector<512x576xi32> to vector<512x576xf32>
    %dot_general3A_108 = arith.constant dense<0.000000e+00> : vector<64x576xf32>
    %dot_general3A_109 = tpu.matmul %get3A_1, %convert_element_type3A_107, %dot_general3A_108 {dimension_numbers = #tpu.dot_dimension_numbers<[0], [0], [1], [1], [0, 1, 1, 1], [], []>, precision = #tpu.contract_precision<fp32>, transpose_lhs_hint = false} : vector<512x64xf32>, vector<512x576xf32>, vector<64x576xf32> -> vector<64x576xf32>
    %eq3A_110 = vector.broadcast %broadcast_in_dim3A_103 : vector<1x576xi32> to vector<512x576xi32>
    %eq3A_111 = arith.cmpi eq, %iota3A, %eq3A_110 : vector<512x576xi32>
    %jit3A_112 = arith.constant 0x7F800000 : f32
    %broadcast_in_dim3A_113 = vector.broadcast %jit3A_112 : f32 to vector<512x576xf32>
    %select_n3A_114 = arith.select %eq3A_111, %broadcast_in_dim3A_113, %sub3A_92 : vector<512x576xi1>, vector<512x576xf32>
    %reduce_min3A_115 = arith.constant dense<0x7F800000> : vector<576xf32>
    %reduce_min3A_116 = vector.multi_reduction <minimumf>, %select_n3A_114, %reduce_min3A_115 [0] : vector<512x576xf32> to vector<576xf32>
    %broadcast_in_dim3A_117 = vector.shape_cast %reduce_min3A_116 : vector<576xf32> to vector<1x576xf32>
    %eq3A_118 = vector.broadcast %broadcast_in_dim3A_117 : vector<1x576xf32> to vector<512x576xf32>
    %eq3A_119 = arith.cmpf oeq, %select_n3A_114, %eq3A_118 : vector<512x576xf32>
    %jit3A_120 = arith.constant 512 : i32
    %broadcast_in_dim3A_121 = vector.broadcast %jit3A_120 : i32 to vector<512x576xi32>
    %select_n3A_122 = arith.select %eq3A_119, %iota3A, %broadcast_in_dim3A_121 : vector<512x576xi1>, vector<512x576xi32>
    %reduce_min3A_123 = arith.constant dense<2147483647> : vector<576xi32>
    %reduce_min3A_124 = vector.multi_reduction <minsi>, %select_n3A_122, %reduce_min3A_123 [0] : vector<512x576xi32> to vector<576xi32>
    %broadcast_in_dim3A_125 = vector.shape_cast %reduce_min3A_124 : vector<576xi32> to vector<1x576xi32>
    %eq3A_126 = vector.broadcast %broadcast_in_dim3A_125 : vector<1x576xi32> to vector<512x576xi32>
    %eq3A_127 = arith.cmpi eq, %iota3A, %eq3A_126 : vector<512x576xi32>
    %convert_element_type3A_128 = arith.extui %eq3A_127 : vector<512x576xi1> to vector<512x576xi32>
    %convert_element_type3A_129 = arith.sitofp %convert_element_type3A_128 : vector<512x576xi32> to vector<512x576xf32>
    %dot_general3A_130 = arith.constant dense<0.000000e+00> : vector<64x576xf32>
    %dot_general3A_131 = tpu.matmul %get3A_1, %convert_element_type3A_129, %dot_general3A_130 {dimension_numbers = #tpu.dot_dimension_numbers<[0], [0], [1], [1], [0, 1, 1, 1], [], []>, precision = #tpu.contract_precision<fp32>, transpose_lhs_hint = false} : vector<512x64xf32>, vector<512x576xf32>, vector<64x576xf32> -> vector<64x576xf32>
    %sub3A_132 = arith.subf %get3A_85, %dot_general3A_109 : vector<64x576xf32>
    %integer_pow3A_133 = arith.mulf %sub3A_132, %sub3A_132 : vector<64x576xf32>
    %reduce_sum3A_134 = arith.constant dense<0.000000e+00> : vector<576xf32>
    %reduce_sum3A_135 = vector.multi_reduction <add>, %integer_pow3A_133, %reduce_sum3A_134 [0] : vector<64x576xf32> to vector<576xf32>
    %broadcast_in_dim3A_136 = vector.shape_cast %reduce_sum3A_135 : vector<576xf32> to vector<1x576xf32>
    %sub3A_137 = arith.subf %get3A_85, %dot_general3A_131 : vector<64x576xf32>
    %integer_pow3A_138 = arith.mulf %sub3A_137, %sub3A_137 : vector<64x576xf32>
    %reduce_sum3A_139 = arith.constant dense<0.000000e+00> : vector<576xf32>
    %reduce_sum3A_140 = vector.multi_reduction <add>, %integer_pow3A_138, %reduce_sum3A_139 [0] : vector<64x576xf32> to vector<576xf32>
    %broadcast_in_dim3A_141 = vector.shape_cast %reduce_sum3A_140 : vector<576xf32> to vector<1x576xf32>
    %lt3A_142 = arith.cmpf olt, %broadcast_in_dim3A_141, %broadcast_in_dim3A_136 : vector<1x576xf32>
    %eq3A_143 = arith.cmpf oeq, %broadcast_in_dim3A_141, %broadcast_in_dim3A_136 : vector<1x576xf32>
    %lt3A_144 = arith.cmpi slt, %broadcast_in_dim3A_125, %broadcast_in_dim3A_103 : vector<1x576xi32>
    %and3A_145 = arith.andi %eq3A_143, %lt3A_144 : vector<1x576xi1>
    %or3A_146 = arith.ori %lt3A_142, %and3A_145 : vector<1x576xi1>
    %select_n3A_147 = arith.select %or3A_146, %broadcast_in_dim3A_125, %broadcast_in_dim3A_103 : vector<1x576xi1>, vector<1x576xi32>
    %swap3A_148 = arith.constant 1 : index
    %swap3A_149 = arith.constant 0 : index
    %swap3A_150 = arith.constant 0 : index
    %swap3A_151 = vector.load %arg2[%swap3A_148, %swap3A_149, %swap3A_150] : memref<4x1x576xi32, #tpu.memory_space<vmem>>, vector<1x1x576xi32>
    %swap3A_152 = vector.shape_cast %swap3A_151 : vector<1x1x576xi32> to vector<1x576xi32>
    %swap3A_153 = vector.shape_cast %select_n3A_147 : vector<1x576xi32> to vector<1x1x576xi32>
    tpu.vector_store %arg2[%swap3A_148, %swap3A_149, %swap3A_150], %swap3A_153 {strides = array<i32>} : memref<4x1x576xi32, #tpu.memory_space<vmem>>, vector<1x1x576xi32>,
    %slice3A_154 = vector.extract_strided_slice %or3A_146 {offsets = [0, 512], sizes = [1, 64], strides = [1, 1]} : vector<1x576xi1> to vector<1x64xi1>
    %slice3A_155 = vector.extract_strided_slice %dot_general3A_131 {offsets = [0, 512], sizes = [64, 64], strides = [1, 1]} : vector<64x576xf32> to vector<64x64xf32>
    %slice3A_156 = vector.extract_strided_slice %dot_general3A_109 {offsets = [0, 512], sizes = [64, 64], strides = [1, 1]} : vector<64x576xf32> to vector<64x64xf32>
    %broadcast_in_dim3A_157 = vector.shape_cast %slice3A_154 : vector<1x64xi1> to vector<1x64xi1>
    %broadcast_in_dim3A_158 = vector.broadcast %broadcast_in_dim3A_157 : vector<1x64xi1> to vector<64x64xi1>
    %select_n3A_159 = arith.select %broadcast_in_dim3A_158, %slice3A_155, %slice3A_156 : vector<64x64xi1>, vector<64x64xf32>
    %swap3A_160 = arith.constant 1 : index
    %swap3A_161 = arith.constant 0 : index
    %swap3A_162 = arith.constant 0 : index
    %swap3A_163 = vector.load %arg3[%swap3A_160, %swap3A_161, %swap3A_162] : memref<4x64x64xf32, #tpu.memory_space<vmem>>, vector<1x64x64xf32>
    %swap3A_164 = vector.shape_cast %swap3A_163 : vector<1x64x64xf32> to vector<64x64xf32>
    %swap3A_165 = vector.shape_cast %select_n3A_159 : vector<64x64xf32> to vector<1x64x64xf32>
    tpu.vector_store %arg3[%swap3A_160, %swap3A_161, %swap3A_162], %swap3A_165 {strides = array<i32>} : memref<4x64x64xf32, #tpu.memory_space<vmem>>, vector<1x64x64xf32>,
    %select_n3A_166 = arith.select %or3A_146, %broadcast_in_dim3A_141, %broadcast_in_dim3A_136 : vector<1x576xi1>, vector<1x576xf32>
    %reduce_sum3A_167 = arith.constant dense<0.000000e+00> : vector<1xf32>
    %reduce_sum3A_168 = vector.multi_reduction <add>, %select_n3A_166, %reduce_sum3A_167 [1] : vector<1x576xf32> to vector<1xf32>
    %broadcast_in_dim3A_169 = vector.shape_cast %reduce_sum3A_168 : vector<1xf32> to vector<1x1xf32>
    %add3A_170 = arith.addf %add3A, %broadcast_in_dim3A_169 : vector<1x1xf32>
    %get3A_171 = arith.constant 2 : index
    %get3A_172 = arith.constant 0 : index
    %get3A_173 = arith.constant 0 : index
    %get3A_174 = vector.load %arg0[%get3A_171, %get3A_172, %get3A_173] : memref<4x64x576xf32, #tpu.memory_space<vmem>>, vector<1x64x576xf32>
    %get3A_175 = vector.shape_cast %get3A_174 : vector<1x64x576xf32> to vector<64x576xf32>
    %dot_general3A_176 = arith.constant dense<0.000000e+00> : vector<512x576xf32>
    %dot_general3A_177 = tpu.matmul %get3A_1, %get3A_175, %dot_general3A_176 {dimension_numbers = #tpu.dot_dimension_numbers<[1], [0], [0], [1], [0, 0, 1, 1], [], []>, precision = #tpu.contract_precision<fp32>, transpose_lhs_hint = false} : vector<512x64xf32>, vector<64x576xf32>, vector<512x576xf32> -> vector<512x576xf32>
    %mul3A_178 = arith.constant 2.000000e+00 : f32
    %mul3A_179 = vector.broadcast %mul3A_178 : f32 to vector<512x576xf32>
    %mul3A_180 = arith.mulf %mul3A_179, %dot_general3A_177 : vector<512x576xf32>
    %sub3A_181 = vector.broadcast %broadcast_in_dim3A : vector<512x1xf32> to vector<512x576xf32>
    %sub3A_182 = arith.subf %sub3A_181, %mul3A_180 : vector<512x576xf32>
    %reduce_min3A_183 = arith.constant dense<0x7F800000> : vector<576xf32>
    %reduce_min3A_184 = vector.multi_reduction <minimumf>, %sub3A_182, %reduce_min3A_183 [0] : vector<512x576xf32> to vector<576xf32>
    %broadcast_in_dim3A_185 = vector.shape_cast %reduce_min3A_184 : vector<576xf32> to vector<1x576xf32>
    %eq3A_186 = vector.broadcast %broadcast_in_dim3A_185 : vector<1x576xf32> to vector<512x576xf32>
    %eq3A_187 = arith.cmpf oeq, %sub3A_182, %eq3A_186 : vector<512x576xf32>
    %jit3A_188 = arith.constant 512 : i32
    %broadcast_in_dim3A_189 = vector.broadcast %jit3A_188 : i32 to vector<512x576xi32>
    %select_n3A_190 = arith.select %eq3A_187, %iota3A, %broadcast_in_dim3A_189 : vector<512x576xi1>, vector<512x576xi32>
    %reduce_min3A_191 = arith.constant dense<2147483647> : vector<576xi32>
    %reduce_min3A_192 = vector.multi_reduction <minsi>, %select_n3A_190, %reduce_min3A_191 [0] : vector<512x576xi32> to vector<576xi32>
    %broadcast_in_dim3A_193 = vector.shape_cast %reduce_min3A_192 : vector<576xi32> to vector<1x576xi32>
    %eq3A_194 = vector.broadcast %broadcast_in_dim3A_193 : vector<1x576xi32> to vector<512x576xi32>
    %eq3A_195 = arith.cmpi eq, %iota3A, %eq3A_194 : vector<512x576xi32>
    %convert_element_type3A_196 = arith.extui %eq3A_195 : vector<512x576xi1> to vector<512x576xi32>
    %convert_element_type3A_197 = arith.sitofp %convert_element_type3A_196 : vector<512x576xi32> to vector<512x576xf32>
    %dot_general3A_198 = arith.constant dense<0.000000e+00> : vector<64x576xf32>
    %dot_general3A_199 = tpu.matmul %get3A_1, %convert_element_type3A_197, %dot_general3A_198 {dimension_numbers = #tpu.dot_dimension_numbers<[0], [0], [1], [1], [0, 1, 1, 1], [], []>, precision = #tpu.contract_precision<fp32>, transpose_lhs_hint = false} : vector<512x64xf32>, vector<512x576xf32>, vector<64x576xf32> -> vector<64x576xf32>
    %eq3A_200 = vector.broadcast %broadcast_in_dim3A_193 : vector<1x576xi32> to vector<512x576xi32>
    %eq3A_201 = arith.cmpi eq, %iota3A, %eq3A_200 : vector<512x576xi32>
    %jit3A_202 = arith.constant 0x7F800000 : f32
    %broadcast_in_dim3A_203 = vector.broadcast %jit3A_202 : f32 to vector<512x576xf32>
    %select_n3A_204 = arith.select %eq3A_201, %broadcast_in_dim3A_203, %sub3A_182 : vector<512x576xi1>, vector<512x576xf32>
    %reduce_min3A_205 = arith.constant dense<0x7F800000> : vector<576xf32>
    %reduce_min3A_206 = vector.multi_reduction <minimumf>, %select_n3A_204, %reduce_min3A_205 [0] : vector<512x576xf32> to vector<576xf32>
    %broadcast_in_dim3A_207 = vector.shape_cast %reduce_min3A_206 : vector<576xf32> to vector<1x576xf32>
    %eq3A_208 = vector.broadcast %broadcast_in_dim3A_207 : vector<1x576xf32> to vector<512x576xf32>
    %eq3A_209 = arith.cmpf oeq, %select_n3A_204, %eq3A_208 : vector<512x576xf32>
    %jit3A_210 = arith.constant 512 : i32
    %broadcast_in_dim3A_211 = vector.broadcast %jit3A_210 : i32 to vector<512x576xi32>
    %select_n3A_212 = arith.select %eq3A_209, %iota3A, %broadcast_in_dim3A_211 : vector<512x576xi1>, vector<512x576xi32>
    %reduce_min3A_213 = arith.constant dense<2147483647> : vector<576xi32>
    %reduce_min3A_214 = vector.multi_reduction <minsi>, %select_n3A_212, %reduce_min3A_213 [0] : vector<512x576xi32> to vector<576xi32>
    %broadcast_in_dim3A_215 = vector.shape_cast %reduce_min3A_214 : vector<576xi32> to vector<1x576xi32>
    %eq3A_216 = vector.broadcast %broadcast_in_dim3A_215 : vector<1x576xi32> to vector<512x576xi32>
    %eq3A_217 = arith.cmpi eq, %iota3A, %eq3A_216 : vector<512x576xi32>
    %convert_element_type3A_218 = arith.extui %eq3A_217 : vector<512x576xi1> to vector<512x576xi32>
    %convert_element_type3A_219 = arith.sitofp %convert_element_type3A_218 : vector<512x576xi32> to vector<512x576xf32>
    %dot_general3A_220 = arith.constant dense<0.000000e+00> : vector<64x576xf32>
    %dot_general3A_221 = tpu.matmul %get3A_1, %convert_element_type3A_219, %dot_general3A_220 {dimension_numbers = #tpu.dot_dimension_numbers<[0], [0], [1], [1], [0, 1, 1, 1], [], []>, precision = #tpu.contract_precision<fp32>, transpose_lhs_hint = false} : vector<512x64xf32>, vector<512x576xf32>, vector<64x576xf32> -> vector<64x576xf32>
    %sub3A_222 = arith.subf %get3A_175, %dot_general3A_199 : vector<64x576xf32>
    %integer_pow3A_223 = arith.mulf %sub3A_222, %sub3A_222 : vector<64x576xf32>
    %reduce_sum3A_224 = arith.constant dense<0.000000e+00> : vector<576xf32>
    %reduce_sum3A_225 = vector.multi_reduction <add>, %integer_pow3A_223, %reduce_sum3A_224 [0] : vector<64x576xf32> to vector<576xf32>
    %broadcast_in_dim3A_226 = vector.shape_cast %reduce_sum3A_225 : vector<576xf32> to vector<1x576xf32>
    %sub3A_227 = arith.subf %get3A_175, %dot_general3A_221 : vector<64x576xf32>
    %integer_pow3A_228 = arith.mulf %sub3A_227, %sub3A_227 : vector<64x576xf32>
    %reduce_sum3A_229 = arith.constant dense<0.000000e+00> : vector<576xf32>
    %reduce_sum3A_230 = vector.multi_reduction <add>, %integer_pow3A_228, %reduce_sum3A_229 [0] : vector<64x576xf32> to vector<576xf32>
    %broadcast_in_dim3A_231 = vector.shape_cast %reduce_sum3A_230 : vector<576xf32> to vector<1x576xf32>
    %lt3A_232 = arith.cmpf olt, %broadcast_in_dim3A_231, %broadcast_in_dim3A_226 : vector<1x576xf32>
    %eq3A_233 = arith.cmpf oeq, %broadcast_in_dim3A_231, %broadcast_in_dim3A_226 : vector<1x576xf32>
    %lt3A_234 = arith.cmpi slt, %broadcast_in_dim3A_215, %broadcast_in_dim3A_193 : vector<1x576xi32>
    %and3A_235 = arith.andi %eq3A_233, %lt3A_234 : vector<1x576xi1>
    %or3A_236 = arith.ori %lt3A_232, %and3A_235 : vector<1x576xi1>
    %select_n3A_237 = arith.select %or3A_236, %broadcast_in_dim3A_215, %broadcast_in_dim3A_193 : vector<1x576xi1>, vector<1x576xi32>
    %swap3A_238 = arith.constant 2 : index
    %swap3A_239 = arith.constant 0 : index
    %swap3A_240 = arith.constant 0 : index
    %swap3A_241 = vector.load %arg2[%swap3A_238, %swap3A_239, %swap3A_240] : memref<4x1x576xi32, #tpu.memory_space<vmem>>, vector<1x1x576xi32>
    %swap3A_242 = vector.shape_cast %swap3A_241 : vector<1x1x576xi32> to vector<1x576xi32>
    %swap3A_243 = vector.shape_cast %select_n3A_237 : vector<1x576xi32> to vector<1x1x576xi32>
    tpu.vector_store %arg2[%swap3A_238, %swap3A_239, %swap3A_240], %swap3A_243 {strides = array<i32>} : memref<4x1x576xi32, #tpu.memory_space<vmem>>, vector<1x1x576xi32>,
    %slice3A_244 = vector.extract_strided_slice %or3A_236 {offsets = [0, 512], sizes = [1, 64], strides = [1, 1]} : vector<1x576xi1> to vector<1x64xi1>
    %slice3A_245 = vector.extract_strided_slice %dot_general3A_221 {offsets = [0, 512], sizes = [64, 64], strides = [1, 1]} : vector<64x576xf32> to vector<64x64xf32>
    %slice3A_246 = vector.extract_strided_slice %dot_general3A_199 {offsets = [0, 512], sizes = [64, 64], strides = [1, 1]} : vector<64x576xf32> to vector<64x64xf32>
    %broadcast_in_dim3A_247 = vector.shape_cast %slice3A_244 : vector<1x64xi1> to vector<1x64xi1>
    %broadcast_in_dim3A_248 = vector.broadcast %broadcast_in_dim3A_247 : vector<1x64xi1> to vector<64x64xi1>
    %select_n3A_249 = arith.select %broadcast_in_dim3A_248, %slice3A_245, %slice3A_246 : vector<64x64xi1>, vector<64x64xf32>
    %swap3A_250 = arith.constant 2 : index
    %swap3A_251 = arith.constant 0 : index
    %swap3A_252 = arith.constant 0 : index
    %swap3A_253 = vector.load %arg3[%swap3A_250, %swap3A_251, %swap3A_252] : memref<4x64x64xf32, #tpu.memory_space<vmem>>, vector<1x64x64xf32>
    %swap3A_254 = vector.shape_cast %swap3A_253 : vector<1x64x64xf32> to vector<64x64xf32>
    %swap3A_255 = vector.shape_cast %select_n3A_249 : vector<64x64xf32> to vector<1x64x64xf32>
    tpu.vector_store %arg3[%swap3A_250, %swap3A_251, %swap3A_252], %swap3A_255 {strides = array<i32>} : memref<4x64x64xf32, #tpu.memory_space<vmem>>, vector<1x64x64xf32>,
    %select_n3A_256 = arith.select %or3A_236, %broadcast_in_dim3A_231, %broadcast_in_dim3A_226 : vector<1x576xi1>, vector<1x576xf32>
    %reduce_sum3A_257 = arith.constant dense<0.000000e+00> : vector<1xf32>
    %reduce_sum3A_258 = vector.multi_reduction <add>, %select_n3A_256, %reduce_sum3A_257 [1] : vector<1x576xf32> to vector<1xf32>
    %broadcast_in_dim3A_259 = vector.shape_cast %reduce_sum3A_258 : vector<1xf32> to vector<1x1xf32>
    %add3A_260 = arith.addf %add3A_170, %broadcast_in_dim3A_259 : vector<1x1xf32>
    %get3A_261 = arith.constant 3 : index
    %get3A_262 = arith.constant 0 : index
    %get3A_263 = arith.constant 0 : index
    %get3A_264 = vector.load %arg0[%get3A_261, %get3A_262, %get3A_263] : memref<4x64x576xf32, #tpu.memory_space<vmem>>, vector<1x64x576xf32>
    %get3A_265 = vector.shape_cast %get3A_264 : vector<1x64x576xf32> to vector<64x576xf32>
    %dot_general3A_266 = arith.constant dense<0.000000e+00> : vector<512x576xf32>
    %dot_general3A_267 = tpu.matmul %get3A_1, %get3A_265, %dot_general3A_266 {dimension_numbers = #tpu.dot_dimension_numbers<[1], [0], [0], [1], [0, 0, 1, 1], [], []>, precision = #tpu.contract_precision<fp32>, transpose_lhs_hint = false} : vector<512x64xf32>, vector<64x576xf32>, vector<512x576xf32> -> vector<512x576xf32>
    %mul3A_268 = arith.constant 2.000000e+00 : f32
    %mul3A_269 = vector.broadcast %mul3A_268 : f32 to vector<512x576xf32>
    %mul3A_270 = arith.mulf %mul3A_269, %dot_general3A_267 : vector<512x576xf32>
    %sub3A_271 = vector.broadcast %broadcast_in_dim3A : vector<512x1xf32> to vector<512x576xf32>
    %sub3A_272 = arith.subf %sub3A_271, %mul3A_270 : vector<512x576xf32>
    %reduce_min3A_273 = arith.constant dense<0x7F800000> : vector<576xf32>
    %reduce_min3A_274 = vector.multi_reduction <minimumf>, %sub3A_272, %reduce_min3A_273 [0] : vector<512x576xf32> to vector<576xf32>
    %broadcast_in_dim3A_275 = vector.shape_cast %reduce_min3A_274 : vector<576xf32> to vector<1x576xf32>
    %eq3A_276 = vector.broadcast %broadcast_in_dim3A_275 : vector<1x576xf32> to vector<512x576xf32>
    %eq3A_277 = arith.cmpf oeq, %sub3A_272, %eq3A_276 : vector<512x576xf32>
    %jit3A_278 = arith.constant 512 : i32
    %broadcast_in_dim3A_279 = vector.broadcast %jit3A_278 : i32 to vector<512x576xi32>
    %select_n3A_280 = arith.select %eq3A_277, %iota3A, %broadcast_in_dim3A_279 : vector<512x576xi1>, vector<512x576xi32>
    %reduce_min3A_281 = arith.constant dense<2147483647> : vector<576xi32>
    %reduce_min3A_282 = vector.multi_reduction <minsi>, %select_n3A_280, %reduce_min3A_281 [0] : vector<512x576xi32> to vector<576xi32>
    %broadcast_in_dim3A_283 = vector.shape_cast %reduce_min3A_282 : vector<576xi32> to vector<1x576xi32>
    %eq3A_284 = vector.broadcast %broadcast_in_dim3A_283 : vector<1x576xi32> to vector<512x576xi32>
    %eq3A_285 = arith.cmpi eq, %iota3A, %eq3A_284 : vector<512x576xi32>
    %convert_element_type3A_286 = arith.extui %eq3A_285 : vector<512x576xi1> to vector<512x576xi32>
    %convert_element_type3A_287 = arith.sitofp %convert_element_type3A_286 : vector<512x576xi32> to vector<512x576xf32>
    %dot_general3A_288 = arith.constant dense<0.000000e+00> : vector<64x576xf32>
    %dot_general3A_289 = tpu.matmul %get3A_1, %convert_element_type3A_287, %dot_general3A_288 {dimension_numbers = #tpu.dot_dimension_numbers<[0], [0], [1], [1], [0, 1, 1, 1], [], []>, precision = #tpu.contract_precision<fp32>, transpose_lhs_hint = false} : vector<512x64xf32>, vector<512x576xf32>, vector<64x576xf32> -> vector<64x576xf32>
    %eq3A_290 = vector.broadcast %broadcast_in_dim3A_283 : vector<1x576xi32> to vector<512x576xi32>
    %eq3A_291 = arith.cmpi eq, %iota3A, %eq3A_290 : vector<512x576xi32>
    %jit3A_292 = arith.constant 0x7F800000 : f32
    %broadcast_in_dim3A_293 = vector.broadcast %jit3A_292 : f32 to vector<512x576xf32>
    %select_n3A_294 = arith.select %eq3A_291, %broadcast_in_dim3A_293, %sub3A_272 : vector<512x576xi1>, vector<512x576xf32>
    %reduce_min3A_295 = arith.constant dense<0x7F800000> : vector<576xf32>
    %reduce_min3A_296 = vector.multi_reduction <minimumf>, %select_n3A_294, %reduce_min3A_295 [0] : vector<512x576xf32> to vector<576xf32>
    %broadcast_in_dim3A_297 = vector.shape_cast %reduce_min3A_296 : vector<576xf32> to vector<1x576xf32>
    %eq3A_298 = vector.broadcast %broadcast_in_dim3A_297 : vector<1x576xf32> to vector<512x576xf32>
    %eq3A_299 = arith.cmpf oeq, %select_n3A_294, %eq3A_298 : vector<512x576xf32>
    %jit3A_300 = arith.constant 512 : i32
    %broadcast_in_dim3A_301 = vector.broadcast %jit3A_300 : i32 to vector<512x576xi32>
    %select_n3A_302 = arith.select %eq3A_299, %iota3A, %broadcast_in_dim3A_301 : vector<512x576xi1>, vector<512x576xi32>
    %reduce_min3A_303 = arith.constant dense<2147483647> : vector<576xi32>
    %reduce_min3A_304 = vector.multi_reduction <minsi>, %select_n3A_302, %reduce_min3A_303 [0] : vector<512x576xi32> to vector<576xi32>
    %broadcast_in_dim3A_305 = vector.shape_cast %reduce_min3A_304 : vector<576xi32> to vector<1x576xi32>
    %eq3A_306 = vector.broadcast %broadcast_in_dim3A_305 : vector<1x576xi32> to vector<512x576xi32>
    %eq3A_307 = arith.cmpi eq, %iota3A, %eq3A_306 : vector<512x576xi32>
    %convert_element_type3A_308 = arith.extui %eq3A_307 : vector<512x576xi1> to vector<512x576xi32>
    %convert_element_type3A_309 = arith.sitofp %convert_element_type3A_308 : vector<512x576xi32> to vector<512x576xf32>
    %dot_general3A_310 = arith.constant dense<0.000000e+00> : vector<64x576xf32>
    %dot_general3A_311 = tpu.matmul %get3A_1, %convert_element_type3A_309, %dot_general3A_310 {dimension_numbers = #tpu.dot_dimension_numbers<[0], [0], [1], [1], [0, 1, 1, 1], [], []>, precision = #tpu.contract_precision<fp32>, transpose_lhs_hint = false} : vector<512x64xf32>, vector<512x576xf32>, vector<64x576xf32> -> vector<64x576xf32>
    %sub3A_312 = arith.subf %get3A_265, %dot_general3A_289 : vector<64x576xf32>
    %integer_pow3A_313 = arith.mulf %sub3A_312, %sub3A_312 : vector<64x576xf32>
    %reduce_sum3A_314 = arith.constant dense<0.000000e+00> : vector<576xf32>
    %reduce_sum3A_315 = vector.multi_reduction <add>, %integer_pow3A_313, %reduce_sum3A_314 [0] : vector<64x576xf32> to vector<576xf32>
    %broadcast_in_dim3A_316 = vector.shape_cast %reduce_sum3A_315 : vector<576xf32> to vector<1x576xf32>
    %sub3A_317 = arith.subf %get3A_265, %dot_general3A_311 : vector<64x576xf32>
    %integer_pow3A_318 = arith.mulf %sub3A_317, %sub3A_317 : vector<64x576xf32>
    %reduce_sum3A_319 = arith.constant dense<0.000000e+00> : vector<576xf32>
    %reduce_sum3A_320 = vector.multi_reduction <add>, %integer_pow3A_318, %reduce_sum3A_319 [0] : vector<64x576xf32> to vector<576xf32>
    %broadcast_in_dim3A_321 = vector.shape_cast %reduce_sum3A_320 : vector<576xf32> to vector<1x576xf32>
    %lt3A_322 = arith.cmpf olt, %broadcast_in_dim3A_321, %broadcast_in_dim3A_316 : vector<1x576xf32>
    %eq3A_323 = arith.cmpf oeq, %broadcast_in_dim3A_321, %broadcast_in_dim3A_316 : vector<1x576xf32>
    %lt3A_324 = arith.cmpi slt, %broadcast_in_dim3A_305, %broadcast_in_dim3A_283 : vector<1x576xi32>
    %and3A_325 = arith.andi %eq3A_323, %lt3A_324 : vector<1x576xi1>
    %or3A_326 = arith.ori %lt3A_322, %and3A_325 : vector<1x576xi1>
    %select_n3A_327 = arith.select %or3A_326, %broadcast_in_dim3A_305, %broadcast_in_dim3A_283 : vector<1x576xi1>, vector<1x576xi32>
    %swap3A_328 = arith.constant 3 : index
    %swap3A_329 = arith.constant 0 : index
    %swap3A_330 = arith.constant 0 : index
    %swap3A_331 = vector.load %arg2[%swap3A_328, %swap3A_329, %swap3A_330] : memref<4x1x576xi32, #tpu.memory_space<vmem>>, vector<1x1x576xi32>
    %swap3A_332 = vector.shape_cast %swap3A_331 : vector<1x1x576xi32> to vector<1x576xi32>
    %swap3A_333 = vector.shape_cast %select_n3A_327 : vector<1x576xi32> to vector<1x1x576xi32>
    tpu.vector_store %arg2[%swap3A_328, %swap3A_329, %swap3A_330], %swap3A_333 {strides = array<i32>} : memref<4x1x576xi32, #tpu.memory_space<vmem>>, vector<1x1x576xi32>,
    %slice3A_334 = vector.extract_strided_slice %or3A_326 {offsets = [0, 512], sizes = [1, 64], strides = [1, 1]} : vector<1x576xi1> to vector<1x64xi1>
    %slice3A_335 = vector.extract_strided_slice %dot_general3A_311 {offsets = [0, 512], sizes = [64, 64], strides = [1, 1]} : vector<64x576xf32> to vector<64x64xf32>
    %slice3A_336 = vector.extract_strided_slice %dot_general3A_289 {offsets = [0, 512], sizes = [64, 64], strides = [1, 1]} : vector<64x576xf32> to vector<64x64xf32>
    %broadcast_in_dim3A_337 = vector.shape_cast %slice3A_334 : vector<1x64xi1> to vector<1x64xi1>
    %broadcast_in_dim3A_338 = vector.broadcast %broadcast_in_dim3A_337 : vector<1x64xi1> to vector<64x64xi1>
    %select_n3A_339 = arith.select %broadcast_in_dim3A_338, %slice3A_335, %slice3A_336 : vector<64x64xi1>, vector<64x64xf32>
    %swap3A_340 = arith.constant 3 : index
    %swap3A_341 = arith.constant 0 : index
    %swap3A_342 = arith.constant 0 : index
    %swap3A_343 = vector.load %arg3[%swap3A_340, %swap3A_341, %swap3A_342] : memref<4x64x64xf32, #tpu.memory_space<vmem>>, vector<1x64x64xf32>
    %swap3A_344 = vector.shape_cast %swap3A_343 : vector<1x64x64xf32> to vector<64x64xf32>
    %swap3A_345 = vector.shape_cast %select_n3A_339 : vector<64x64xf32> to vector<1x64x64xf32>
    tpu.vector_store %arg3[%swap3A_340, %swap3A_341, %swap3A_342], %swap3A_345 {strides = array<i32>} : memref<4x64x64xf32, #tpu.memory_space<vmem>>, vector<1x64x64xf32>,
    %select_n3A_346 = arith.select %or3A_326, %broadcast_in_dim3A_321, %broadcast_in_dim3A_316 : vector<1x576xi1>, vector<1x576xf32>
    %reduce_sum3A_347 = arith.constant dense<0.000000e+00> : vector<1xf32>
    %reduce_sum3A_348 = vector.multi_reduction <add>, %select_n3A_346, %reduce_sum3A_347 [1] : vector<1x576xf32> to vector<1xf32>
    %broadcast_in_dim3A_349 = vector.shape_cast %reduce_sum3A_348 : vector<1xf32> to vector<1x1xf32>
    %add3A_350 = arith.addf %add3A_260, %broadcast_in_dim3A_349 : vector<1x1xf32>
    %mul3A_351 = arith.constant 1.35633682E-5 : f32
    %mul3A_352 = vector.broadcast %mul3A_351 : f32 to vector<1x1xf32>
    %mul3A_353 = arith.mulf %add3A_350, %mul3A_352 : vector<1x1xf32>
    %swap3A_354 = arith.constant 0 : index
    %swap3A_355 = arith.constant 0 : index
    %swap3A_356 = vector.load %arg4[%swap3A_354, %swap3A_355] : memref<1x1xf32, #tpu.memory_space<vmem>>, vector<1x1xf32>
    tpu.vector_store %arg4[%swap3A_354, %swap3A_355], %mul3A_353 {strides = array<i32>} : memref<1x1xf32, #tpu.memory_space<vmem>>, vector<1x1xf32>,
    return
  }
}

</mosaic_0001>

<sc_bundles>
// kernel: kernel.4.cloned.1.call-start
scs
__scs_entry_jumppad:
0x0: {  	(pc) =	sbr.rel $0x88, $3  }
0x1: {  	(tag) =	ssettag $0x0;
	lr =	simm.s32 $0x1  }
0x2: {  	[smem:$0x3F9F] =	sst lr;
	_ =	strace $0xD0000000  }
0x3: {  	_ = 	snop  }
0x4: {  	_ = 	snop  }
0x5: {  	_ = 	snop  }
0x6: {  	_ = 	snop  }
0x7: {  	_ = 	snop  }
__scs_overlays_trampoline_lowered:
0x8: {  	[smem:$0x3FAE] =	sst s0  }
0x9: {  	[smem:$0x3FAF] =	sst s1  }
0xa: {  	[smem:$0x3FB0] =	sst s2  }
0xb: {  	[smem:$0x3FB1] =	sst s3  }
0xc: {  	[smem:$0x3FB2] =	sst s4  }
0xd: {  	[smem:$0x3FB3] =	sst s5  }
0xe: {  	[smem:$0x3FB4] =	sst s6  }
0xf: {  	[smem:$0x3FB5] =	sst s7  }
0x10: {  	[smem:$0x3FB6] =	sst s8  }
0x11: {  	[smem:$0x3FB7] =	sst s9;
	s0 =	simm.s32 @!p0 $0x0  }
0x12: {  	s1 =	sld [smem:$0x3F9D];
	s0 =	simm.s32 @p0 $0x1  }
0x13: {  	[smem:$0x3FB8] =	sst s0;
	s0 =	simm.s32 @!p1 $0x0  }
0x14: {  	s2 =	sld [smem:$0x3F9C];
	s0 =	simm.s32 @p1 $0x1  }
0x15: {  	[smem:$0x3FB9] =	sst s0;
	s0 =	simm.s32 @!p2 $0x0  }
0x16: {  	s3 =	sld [smem:$0x3FDB];
	s0 =	simm.s32 @p2 $0x1  }
0x17: {  	s4 =	simm.s32 $0x1BF5;
	[smem:$0x3FBB] =	sst s0  }
0x18: {  	s0 =	sld [smem:$0x3F9E];
	_ =	swait.ge [sflag:s4], $0x0  }
0x19: {  	s7 =	sld [smem:$0x3F9F]  }
0x1a: {  	s8 =	sadd.s32 $0xFFFFE003, lr  }
0x1b: {  	s9 =	sadd.s32 $0xFFFFFEF7, lr;
	s5 =	simm.s32 $0xFFFFFFFF;
	p2 =	slt.u32 s8, $0xFFFFF086  }
0x1c: {  	p1 =	slt.u32 s9, $0xF7A;
	s5 =	simm.s32 @!p2 $0x0  }
0x1d: {  	s5 =	simm.s32 @p1 $0x1;
	p0 =	seq.s32 s7, s2  }
0x1e: {  	s7 =	smul.u32 @!p0 $0xF7A, s2;
	p2 =	seq.s32 @!p0 s5, $0x0  }
0x1f: {  	s9 =	smul.u32 $0xF7A, s1;
	s8 =	simm.s32 @!p0 $0x1BF5;
	p2 =	por !p2, p0  }
0x20: {  	[sflag:s8] =	ssyncset.s32 @!p0 $0xFFFFF086;
	s6 =	sadd.s32 @!p0 s3, s7;
	s7 =	simm.s32 @!p0 $0x108  }
0x21: {  	s3 =	sadd.s32 s3, s9;
	s6 =	sadd.s32 @!p0 $0x88, s6;
	s7 =	simm.s32 @p2 $0x1082  }
0x22: {  	[simem:s7], [sflag:s8] =	dma.local @!p0 [hbm:s6], $0xF7A  }
0x23: {  	s9 =	sor.u32 $0xD0000000, s2;
	s6 =	simm.s32 $0x108;
	_ =	swait.ge @!p0 [sflag:s8], $0x0  }
0x24: {  	s3 =	sadd.s32 $0x88, s3;
	s6 =	simm.s32 @!p1 $0x1082;
	[sflag:s4] =	ssyncset.s32 $0xFFFFF086  }
0x25: {  	[simem:s6], [sflag:s4] =	dma.local [hbm:s3], $0xF7A  }
0x26: {  	[smem:$0x3F9F] =	sst s1;
	(tag) =	ssettag s2;
	_ =	strace s9  }
0x27: {  	s1 =	sld [smem:$0x3FAF]  }
0x28: {  	s2 =	sld [smem:$0x3FB0]  }
0x29: {  	s4 =	sld [smem:$0x3FB2]  }
0x2a: {  	p0 =	seq.s32 s5, $0x0;
	s5 =	sld [smem:$0x3FB3]  }
0x2b: {  	s6 =	sld [smem:$0x3FB4]  }
0x2c: {  	s7 =	sld [smem:$0x3FB5]  }
0x2d: {  	s3 =	simm.s32 $0x108;
	s8 =	sld [smem:$0x3FB6]  }
0x2e: {  	s3 =	simm.s32 @!p0 $0x1082;
	s9 =	sld [smem:$0x3FB7]  }
0x2f: {  	lr =	sadd.s32 s0, s3;
	s0 =	sld [smem:$0x3FAE]  }
0x30: {  	s3 =	sld [smem:$0x3FB1]  }
0x31: {  	[smem:$0x3FBA] =	sst s10  }
0x32: {  	s10 =	sld [smem:$0x3FB8];
	_ =	sdelay $0x3  }
0x33: {  	p0 =	seq.s32 s10, $0x1;
	s10 =	sld [smem:$0x3FBA];
	_ =	sdelay $0x3  }
0x34: {  	[smem:$0x3FBA] =	sst s10  }
0x35: {  	s10 =	sld [smem:$0x3FB9];
	_ =	sdelay $0x3  }
0x36: {  	p1 =	seq.s32 s10, $0x1;
	s10 =	sld [smem:$0x3FBA];
	_ =	sdelay $0x3  }
0x37: {  	[smem:$0x3FBA] =	sst s10  }
0x38: {  	s10 =	sld [smem:$0x3FBB]  }
0x39: {  	_ = 	snop;
	(pc) =	sbr.ind lr, $3  }
0x3a: {  	_ = 	snop  }
0x3b: {  	_ = 	snop  }
0x3c: {  	p2 =	seq.s32 s10, $0x1;
	s10 =	sld [smem:$0x3FBA]  }
0x3d: {  	_ =	shalt  }
0x3e: {  	_ =	shalt  }
0x3f: {  	_ =	shalt  }
0x40: {  	_ =	shalt  }
0x41: {  	_ =	shalt  }
0x42: {  	_ =	shalt  }
0x43: {  	_ =	shalt  }
0x44: {  	_ =	shalt  }
0x45: {  	_ =	shalt  }
0x46: {  	_ =	shalt  }
0x47: {  	_ =	shalt  }
0x48: {  	_ =	shalt  }
0x49: {  	_ =	shalt  }
0x4a: {  	_ =	shalt  }
0x4b: {  	_ =	shalt  }
0x4c: {  	_ =	shalt  }
0x4d: {  	_ =	shalt  }
0x4e: {  	_ =	shalt  }
0x4f: {  	_ =	shalt  }
0x50: {  	_ =	shalt  }
0x51: {  	_ =	shalt  }
0x52: {  	_ =	shalt  }
0x53: {  	_ =	shalt  }
0x54: {  	_ =	shalt  }
0x55: {  	_ =	shalt  }
0x56: {  	_ =	shalt  }
0x57: {  	_ =	shalt  }
0x58: {  	_ =	shalt  }
0x59: {  	_ =	shalt  }
0x5a: {  	_ =	shalt  }
0x5b: {  	_ =	shalt  }
0x5c: {  	_ =	shalt  }
0x5d: {  	_ =	shalt  }
0x5e: {  	_ =	shalt  }
0x5f: {  	_ =	shalt  }
0x60: {  	_ =	shalt  }
0x61: {  	_ =	shalt  }
0x62: {  	_ =	shalt  }
0x63: {  	_ =	shalt  }
0x64: {  	_ =	shalt  }
0x65: {  	_ =	shalt  }
0x66: {  	_ =	shalt  }
0x67: {  	_ =	shalt  }
0x68: {  	_ =	shalt  }
0x69: {  	_ =	shalt  }
0x6a: {  	_ =	shalt  }
0x6b: {  	_ =	shalt  }
0x6c: {  	_ =	shalt  }
0x6d: {  	_ =	shalt  }
0x6e: {  	_ =	shalt  }
0x6f: {  	_ =	shalt  }
0x70: {  	_ =	shalt  }
0x71: {  	_ =	shalt  }
0x72: {  	_ =	shalt  }
0x73: {  	_ =	shalt  }
0x74: {  	_ =	shalt  }
0x75: {  	_ =	shalt  }
0x76: {  	_ =	shalt  }
0x77: {  	_ =	shalt  }
0x78: {  	_ =	shalt  }
0x79: {  	_ =	shalt  }
0x7a: {  	_ =	shalt  }
0x7b: {  	_ =	shalt  }
0x7c: {  	_ =	shalt  }
0x7d: {  	_ =	shalt  }
0x7e: {  	_ =	shalt  }
0x7f: {  	_ =	shalt  }
0x80: {  	_ =	shalt  }
0x81: {  	_ =	shalt  }
0x82: {  	_ =	shalt  }
0x83: {  	_ =	shalt  }
0x84: {  	_ =	shalt  }
0x85: {  	_ =	shalt  }
0x86: {  	_ =	shalt  }
0x87: {  	_ =	shalt  }
.Lfunc_end0:
.L_simem_size_0:
called_computation_lowered:
.L_overlay_start_0:
0x88: {  	s2 =	sld [smem:$0x3FD9]  }
0x89: {  	s3 =	sld [smem:$0x3FFE];
	_ =	sdelay $0x1  }
0x8a: {  	s1 =	srdreg.scid  }
0x8b: {  	s0 =	sand.u32 $0x1, s1  }
0x8c: {  	s14 =	sshll.u32 s0, $0xA;
	s2 =	sadd.s32 s3, s2  }
0x8d: {  	s2 =	sadd.s32 s2, s14  }
0x8e: {  	[smem:$0x3FC6] =	sst s2  }
0x8f: {  	_ = 	snop  }
0x90: {  	s2 =	sld [smem:$0x3FD0];
	_ =	sdelay $0x2  }
0x91: {  	s15 =	simm.s32 $0xA;
	s4 =	simm.s32 $0x10  }
0x92: {  	[smem:s4], [sflag:s15] =	dma.local [hbm:s2], $0x1  }
0x93: {  	_ =	swait.eq [sflag:s15], $0x1  }
0x94: {  	[sflag:s15] =	ssyncset.done $0x0  }
0x95: {  	[sflag:s15] =	ssyncadd.s32 $0xFFFFFFFF  }
0x96: {  	s16 =	sld [smem:$0x10];
	(tm) =	ssettm $0x1  }
0x97: {  	s17 =	sld [smem:$0x3FFB];
	_ =	sdelay $0x3  }
0x98: {  	_ =	strace s17  }
0x99: {  	s3 =	sld [smem:$0x3FFC];
	_ =	sdelay $0x3  }
0x9a: {  	_ =	strace s3  }
0x9b: {  	s3 =	sld [smem:$0x3FFD];
	_ =	sdelay $0x3  }
0x9c: {  	_ =	strace s3  }
0x9d: {  	_ =	strace $0x8FFFFFFF  }
0x9e: {  	s18 =	sld [smem:$0x3FDB];
	_ =	sdelay $0x1  }
0x9f: {  	s19 =	simm.s32 $_scs_section_size  }
0xa0: {  	s5 =	simm.s32 $_size__tile_overlayer_lowered;
	s6 =	simm.s32 $_tile_overlayer_lowered  }
0xa1: {  	s22 =	simm.s32 $0x1BFF;
	s21 =	sshll.u32 s6, $0x1;
	s3 =	sadd.s32 s19, s18  }
0xa2: {  	s7 =	simm.s32 $0x0;
	s20 =	sshll.u32 s5, $0x1;
	s5 =	sadd.s32 s21, s3  }
0xa3: {  	[timem:s7], [sflag:s22] =	dma.local [hbm:s5], s20  }
0xa4: {  	_ =	swait.ge [sflag:s22], s20  }
0xa5: {  	s4 =	ssub.s32 $0x0, s20;
	[sflag:s22] =	ssyncset.done $0x0  }
0xa6: {  	[sflag:s22] =	ssyncadd.s32 s4;
	_ =	sdelay $0x1  }
0xa7: {  	s23 =	simm.s32 $0x1B8B  }
0xa8: {  	_ =	swait.ge [sflag:s23], $0x1  }
0xa9: {  	[sflag:s23] =	ssyncset.done $0x0  }
0xaa: {  	s25 =	simm.s32 $0x1B8E;
	s24 =	sld [smem:$0x3FFE];
	[sflag:s23] =	ssyncadd.s32 $0xFFFFFFFF  }
0xab: {  	s26 =	simm.s32 $execute0_lowered;
	[smem:$0x3FD2] =	sst s25  }
0xac: {  	s5 =	sshll.u32 s26, $0x1;
	_ =	strace $0x80000046;
	[dreg:$0x1] =	wrdreg $0xFFFFFFFF  }
0xad: {  	s28 =	simm.s32 $_size_execute0_lowered;
	s3 =	sadd.s32 s3, s5;
	[dreg:$0x0] =	wrdreg $0x0  }
0xae: {  	s5 =	sshll.u32 s28, $0x1;
	[dreg:$0x2] =	wrdreg s3  }
0xaf: {  	[dreg:$0x3] =	wrdreg s5  }
0xb0: {  	[dreg:$0x4] =	wrdreg $0xC0  }
0xb1: {  	_ =	task [dreg:s7], $0x5FFFF  }
0xb2: {  	[dreg:$0x1] =	wrdreg $0xFFFFFFFF  }
0xb3: {  	[dreg:$0x0] =	wrdreg $0x60  }
0xb4: {  	[dreg:$0x2] =	wrdreg s24  }
0xb5: {  	[dreg:$0x3] =	wrdreg s16  }
0xb6: {  	[dreg:$0x4] =	wrdreg $0x9  }
0xb7: {  	_ =	task.clear_ibuf [dreg:s7], $0x5FFFF;
	_ =	strace $0x90000046  }
0xb8: {  	s29 =	simm.s32 $0x9;
	_ =	strace $0x80000048  }
0xb9: {  	_ =	swait.ge [sflag:s29], $0x1  }
0xba: {  	[sflag:s29] =	ssyncadd.s32 $0xFFFFFFFF  }
0xbb: {  	_ =	strace $0x90000048  }
0xbc: {  	_ =	sfence  }
0xbd: {  	s30 =	sld [smem:$0x0];
	_ =	sdelay $0x2  }
0xbe: {  	s31 =	sshll.u32 s1, $0xD;
	s1 =	sshrl.u32 s1, $0x2  }
0xbf: {  	s3 =	sand.u32 $0x4000, s31;
	s1 =	sadd.s32 s1, s30  }
0xc0: {  	s0 =	sor.u32 s3, s0;
	s1 =	sshll.u32 s1, $0x11  }
0xc1: {  	s0 =	sor.u32 s1, s0  }
0xc2: {  	s0 =	sadd.s32 $0x8F2B, s0  }
0xc3: {  	[sflag:s0] =	ssyncadd.remote.s32 $0x1  }
0xc4: {  	_ =	sfence.sel $0xFFFF  }
0xc5: {  	[dreg:$0x0] =	wrdreg $0xFFFFFFFF;
	(pc) =	sbr.abs _section_cstart, $3  }
0xc6: {  	[dreg:$0x1] =	wrdreg $0xFFFFFFFF  }
0xc7: {  	_ =	task.clear_ibuf [dreg:s7], $0x2FFFF;
	_ =	strace $0x9FFFFFFF  }
0xc8: {  	(tm) =	ssettm $0x7FFFFFFF  }
0xc9: {  	_ =	shalt  }
tec
execute0_lowered:
.L_overlay_start_1:
0x0: {  	(tag) =	ssettag $0x1  }
0x1: {  	s3 =	stileid.u32  }
0x2: {  	p0 =	sgt.u32 s3, $0x7  }
.Ltmp0:
0x3: {  	_ = 	snop;
	(pc) =	sbr.rel @p0 .LBB2_5-.Ltmp0, $4  }
0x4: {  	_ = 	snop  }
0x5: {  	s0 =	rddreg [dreg:$0x0];
	s2 =	simm.s32 $0x0  }
0x6: {  	[smem:$0x7FF] =	sst s2  }
0x7: {  	s1 =	rddreg [dreg:$0x1];
	_ =	strace $0x80000047  }
0x8: {  	s3 =	srdreg.scid;
	s5 =	stileid.u32;
	s6 =	sadd.s32 $0x800, s0  }
0x9: {  	s29 =	sadd.s32 $0x2800, s0;
	s4 =	sshll.u32 s5, $0x1;
	s3 =	sand.u32 $0x1, s3  }
0xa: {  	[dreg:$0x3] =	wrdreg s6;
	s5 =	sshrl.u32 s5, $0x1;
	s4 =	sand.u32 $0x2, s4  }
0xb: {  	s26 =	sshll.u32 s5, $0xC;
	s7 =	smul.u32 $0x50, s5;
	s4 =	sor.u32 s3, s4  }
0xc: {  	s3 =	ssub.s32 $0x2, s3;
	s1 =	sadd.s32 s1, s26;
	s4 =	sshll.u32 s4, $0x7  }
0xd: {  	s28 =	sshrl.u32 s3, $0x1;
	s0 =	sadd.s32 s29, s7;
	[dreg:$0x4] =	wrdreg s4  }
0xe: {  	v0 =	vlaneseq.u32;
	s1 =	sadd.s32 s4, s1;
	s30 =	ssub.s32 s3, s28;
	[dreg:$0x6] =	wrdreg s0  }
0xf: {  	s8 =	simm.s32 $0x2;
	v0 =	vmul.u32 $0x80, v0;
	[dreg:$0x5] =	wrdreg s1;
	s31 =	smax.u32 s30, $0x1  }
0x10: {  	s10 =	simm.s32 $0x280;
	s11 =	simm.s32 $0x1;
	[dreg:$0x7] =	wrdreg s31  }
.LBB2_2:
0x11: {  	s0 =	simm.s32 $0x0  }
0x12: {  	s1 =	rddreg [dreg:$0x6];
	s21 =	sand.u32 $0x70, s0  }
0x13: {  	[tilespmem:s0], [sflag:$0x2] =	stream.linear.gather [hbm4b:s1+s0], $0x280, $0x38;
	v1 =	vmov s21;
	[tilespmem:$0x6280] =	vst v63  }
0x14: {  	s22 =	sand.u32 $0x20, s0;
	_ =	swait.ge [sflag:s8], $0x280;
	v1 =	vshll.u32 v1, $0x7  }
0x15: {  	s0 =	sor.u32 $0x10, s22;
	[sflag:s8] =	ssyncset.done $0x0;
	s19 =	rddreg [dreg:$0x3];
	v3 =	vor.u32 v0, v1  }
0x16: {  	s4 =	simm.s32 $0x80;
	s3 =	rddreg [dreg:$0x4];
	[sflag:s8] =	ssyncadd.s32 $0xFFFFFD80;
	v1 =	vor.u32 s0, v3  }
0x17: {  	[tilespmem:s10], [sflag:$0x1] =	stream.indirect.gather [hbm4b:s19+s4], $0x80, s3, s4, $0xb8;
	v2 =	vor.u32 s22, v3;
	[tilespmem:$0x6280] =	vst v63  }
0x18: {  	_ =	swait.ge [sflag:s11], $0x4000  }
0x19: {  	[sflag:s11] =	ssyncset.done $0x0  }
0x1a: {  	[sflag:s11] =	ssyncadd.s32 $0xFFFFC000  }
0x1b: {  	s20 =	sor.u32 $0x11, s22;
	v1 =	vld.idx.msk [tilespmem:v1+s10+$0x0], $0xffff  }
0x1c: {  	s23 =	sor.u32 $0x1, s22;
	v4 =	vor.u32 s20, v3;
	v2 =	vld.idx.msk [tilespmem:v2+s10+$0x0], $0xffff  }
0x1d: {  	v5 =	vor.u32 s23, v3  }
0x1e: {  	s0 =	sshll.u32 s0, $0x7  }
0x1f: {  	s9 =	sshll.u32 s22, $0x7;
	s0 =	sor.u32 s21, s0  }
0x20: {  	s24 =	sor.u32 s21, s9;
	[tilespmem:s0+$0x4280] =	vst v1  }
0x21: {  	s25 =	sor.u32 $0x12, s22;
	[tilespmem:s24+$0x4280] =	vst v2;
	v1 =	vld.idx.msk [tilespmem:v4+s10+$0x0], $0xffff  }
0x22: {  	s26 =	sor.u32 $0x2, s22;
	v2 =	vor.u32 s25, v3;
	v4 =	vld.idx.msk [tilespmem:v5+s10+$0x0], $0xffff  }
0x23: {  	v5 =	vor.u32 s26, v3  }
0x24: {  	s1 =	sshll.u32 s20, $0x7  }
0x25: {  	s1 =	sor.u32 s21, s1;
	s3 =	sshll.u32 s23, $0x7  }
0x26: {  	s3 =	sor.u32 s21, s3;
	[tilespmem:s1+$0x4280] =	vst v1  }
0x27: {  	s4 =	sor.u32 $0x13, s22;
	[tilespmem:s3+$0x4280] =	vst v4;
	v1 =	vld.idx.msk [tilespmem:v2+s10+$0x0], $0xffff  }
0x28: {  	s5 =	sor.u32 $0x3, s22;
	v2 =	vor.u32 s4, v3;
	v4 =	vld.idx.msk [tilespmem:v5+s10+$0x0], $0xffff  }
0x29: {  	v5 =	vor.u32 s5, v3  }
0x2a: {  	s9 =	sshll.u32 s25, $0x7  }
0x2b: {  	s9 =	sor.u32 s21, s9;
	s0 =	sshll.u32 s26, $0x7  }
0x2c: {  	s0 =	sor.u32 s21, s0;
	[tilespmem:s9+$0x4280] =	vst v1  }
0x2d: {  	s6 =	sor.u32 $0x14, s22;
	[tilespmem:s0+$0x4280] =	vst v4;
	v1 =	vld.idx.msk [tilespmem:v2+s10+$0x0], $0xffff  }
0x2e: {  	s7 =	sor.u32 $0x4, s22;
	v2 =	vor.u32 s6, v3;
	v4 =	vld.idx.msk [tilespmem:v5+s10+$0x0], $0xffff  }
0x2f: {  	v5 =	vor.u32 s7, v3  }
0x30: {  	s3 =	sshll.u32 s4, $0x7  }
0x31: {  	s1 =	sshll.u32 s5, $0x7;
	s3 =	sor.u32 s21, s3  }
0x32: {  	s13 =	simm.s32 $0x8;
	s1 =	sor.u32 s21, s1;
	[tilespmem:s3+$0x4280] =	vst v1  }
0x33: {  	s15 =	sand.u32 $0x70, s13;
	s12 =	sor.u32 $0x15, s22;
	[tilespmem:s1+$0x4280] =	vst v4;
	v2 =	vld.idx.msk [tilespmem:v2+s10+$0x0], $0xffff  }
0x34: {  	s17 =	simm.s32 $0x20;
	s14 =	sor.u32 $0x5, s22;
	v4 =	vor.u32 s12, v3;
	v1 =	vmov s15;
	v5 =	vld.idx.msk [tilespmem:v5+s10+$0x0], $0xffff  }
0x35: {  	s16 =	sand.u32 $0x20, s17;
	v6 =	vor.u32 s14, v3;
	v1 =	vshll.u32 v1, $0x7  }
0x36: {  	s18 =	sshll.u32 s6, $0x7;
	s19 =	sor.u32 $0x10, s16;
	v1 =	vor.u32 v0, v1  }
0x37: {  	s0 =	sshll.u32 s7, $0x7;
	s3 =	sor.u32 s21, s18;
	v7 =	vor.u32 s19, v1  }
0x38: {  	s0 =	sor.u32 s21, s0;
	v8 =	vor.u32 s16, v1;
	[tilespmem:s3+$0x4280] =	vst v2  }
0x39: {  	s20 =	sor.u32 $0x16, s22;
	[tilespmem:s0+$0x4280] =	vst v5;
	v2 =	vld.idx.msk [tilespmem:v4+s10+$0x0], $0xffff  }
0x3a: {  	s23 =	sor.u32 $0x6, s22;
	v4 =	vor.u32 s20, v3;
	v5 =	vld.idx.msk [tilespmem:v6+s10+$0x0], $0xffff  }
0x3b: {  	v6 =	vor.u32 s23, v3  }
0x3c: {  	s13 =	sor.u32 $0x11, s16;
	s12 =	sshll.u32 s12, $0x7;
	v7 =	vld.idx.msk [tilespmem:v7+s10+$0x0], $0xffff  }
0x3d: {  	s1 =	sshll.u32 s14, $0x7;
	s14 =	sor.u32 $0x1, s16;
	s12 =	sor.u32 s21, s12;
	v9 =	vor.u32 s13, v1;
	v8 =	vld.idx.msk [tilespmem:v8+s10+$0x0], $0xffff  }
0x3e: {  	s1 =	sor.u32 s21, s1;
	[tilespmem:s12+$0x4280] =	vst v2;
	v2 =	vor.u32 s14, v1  }
0x3f: {  	s24 =	sor.u32 $0x17, s22;
	s9 =	sshll.u32 s19, $0x7;
	[tilespmem:s1+$0x4280] =	vst v5;
	v4 =	vld.idx.msk [tilespmem:v4+s10+$0x0], $0xffff  }
0x40: {  	s17 =	sor.u32 $0x7, s22;
	s26 =	sshll.u32 s16, $0x7;
	s25 =	sor.u32 s15, s9;
	v5 =	vor.u32 s24, v3;
	v6 =	vld.idx.msk [tilespmem:v6+s10+$0x0], $0xffff  }
0x41: {  	s4 =	sor.u32 s15, s26;
	[tilespmem:s25+$0x4280] =	vst v7;
	v7 =	vor.u32 s17, v3  }
0x42: {  	s5 =	sor.u32 $0x12, s16;
	s3 =	sshll.u32 s20, $0x7;
	[tilespmem:s4+$0x4280] =	vst v8;
	v9 =	vld.idx.msk [tilespmem:v9+s10+$0x0], $0xffff  }
0x43: {  	s7 =	sor.u32 $0x2, s16;
	s0 =	sshll.u32 s23, $0x7;
	s6 =	sor.u32 s21, s3;
	v8 =	vor.u32 s5, v1;
	v2 =	vld.idx.msk [tilespmem:v2+s10+$0x0], $0xffff  }
0x44: {  	s0 =	sor.u32 s21, s0;
	[tilespmem:s6+$0x4280] =	vst v4;
	v4 =	vor.u32 s7, v1  }
0x45: {  	s18 =	sshll.u32 s13, $0x7;
	s13 =	sor.u32 $0x18, s22;
	[tilespmem:s0+$0x4280] =	vst v6;
	v5 =	vld.idx.msk [tilespmem:v5+s10+$0x0], $0xffff  }
0x46: {  	s19 =	sor.u32 s15, s18;
	s20 =	sshll.u32 s14, $0x7;
	s14 =	sor.u32 $0x8, s22;
	v6 =	vor.u32 s13, v3;
	v7 =	vld.idx.msk [tilespmem:v7+s10+$0x0], $0xffff  }
0x47: {  	s23 =	sor.u32 s15, s20;
	[tilespmem:s19+$0x4280] =	vst v9;
	v9 =	vor.u32 s14, v3  }
0x48: {  	s24 =	sshll.u32 s24, $0x7;
	s12 =	sor.u32 $0x13, s16;
	v8 =	vld.idx.msk [tilespmem:v8+s10+$0x0], $0xffff;
	[tilespmem:s23+$0x4280] =	vst v2  }
0x49: {  	s26 =	sshll.u32 s17, $0x7;
	s25 =	sor.u32 s21, s24;
	s17 =	sor.u32 $0x3, s16;
	v2 =	vor.u32 s12, v1;
	v4 =	vld.idx.msk [tilespmem:v4+s10+$0x0], $0xffff  }
0x4a: {  	s1 =	sor.u32 s21, s26;
	[tilespmem:s25+$0x4280] =	vst v5;
	v5 =	vor.u32 s17, v1  }
0x4b: {  	s29 =	sor.u32 $0x1C, s22;
	s9 =	sshll.u32 s5, $0x7;
	s18 =	sor.u32 $0x19, s22;
	[tilespmem:s1+$0x4280] =	vst v7;
	v6 =	vld.idx.msk [tilespmem:v6+s10+$0x0], $0xffff  }
0x4c: {  	s3 =	sshll.u32 s7, $0x7;
	s5 =	sor.u32 s15, s9;
	s19 =	sor.u32 $0x9, s22;
	v7 =	vor.u32 s18, v3;
	v9 =	vld.idx.msk [tilespmem:v9+s10+$0x0], $0xffff  }
0x4d: {  	s20 =	sor.u32 $0x15, s16;
	s4 =	sor.u32 $0x14, s16;
	s7 =	sor.u32 s15, s3;
	[tilespmem:s5+$0x4280] =	vst v8;
	v8 =	vor.u32 s19, v3  }
0x4e: {  	s24 =	sshll.u32 s20, $0x7;
	s26 =	sshll.u32 s14, $0x7;
	s25 =	sshll.u32 s13, $0x7;
	v2 =	vld.idx.msk [tilespmem:v2+s10+$0x0], $0xffff;
	[tilespmem:s7+$0x4280] =	vst v4  }
0x4f: {  	s9 =	sor.u32 s15, s24;
	s14 =	sor.u32 $0x4, s16;
	s13 =	sor.u32 s21, s25;
	v4 =	vor.u32 s4, v1;
	v5 =	vld.idx.msk [tilespmem:v5+s10+$0x0], $0xffff  }
0x50: {  	s6 =	sshll.u32 s4, $0x7;
	s3 =	sor.u32 $0x1A, s22;
	s4 =	sor.u32 s21, s26;
	[tilespmem:s13+$0x4280] =	vst v6;
	v6 =	vor.u32 s14, v1  }
0x51: {  	s23 =	sor.u32 s15, s6;
	s6 =	sshll.u32 s17, $0x7;
	s5 =	sshll.u32 s12, $0x7;
	[tilespmem:s4+$0x4280] =	vst v9;
	v7 =	vld.idx.msk [tilespmem:v7+s10+$0x0], $0xffff  }
0x52: {  	s25 =	simm.s32 $0x10;
	s1 =	sor.u32 s15, s5;
	s7 =	sor.u32 $0xA, s22;
	v9 =	vor.u32 s3, v3;
	v8 =	vld.idx.msk [tilespmem:v8+s10+$0x0], $0xffff  }
0x53: {  	s24 =	sor.u32 $0xB, s22;
	s0 =	sor.u32 s15, s6;
	s17 =	sand.u32 $0x70, s25;
	v10 =	vor.u32 s7, v3;
	[tilespmem:s1+$0x4280] =	vst v2  }
0x54: {  	s19 =	sshll.u32 s19, $0x7;
	s26 =	sshll.u32 s18, $0x7;
	s4 =	simm.s32 $0x40;
	v2 =	vmov s17;
	v4 =	vld.idx.msk [tilespmem:v4+s10+$0x0], $0xffff;
	[tilespmem:s0+$0x4280] =	vst v5  }
0x55: {  	s5 =	sor.u32 $0x5, s16;
	s18 =	sand.u32 $0x20, s4;
	s1 =	sor.u32 s21, s26;
	v2 =	vshll.u32 v2, $0x7;
	v5 =	vor.u32 s20, v1;
	v6 =	vld.idx.msk [tilespmem:v6+s10+$0x0], $0xffff  }
0x56: {  	s6 =	sshll.u32 s7, $0x7;
	s7 =	sor.u32 s21, s19;
	s25 =	sor.u32 $0x10, s18;
	v2 =	vor.u32 v0, v2;
	[tilespmem:s1+$0x4280] =	vst v7;
	v7 =	vor.u32 s5, v1  }
0x57: {  	s12 =	sor.u32 $0x1B, s22;
	s28 =	sshll.u32 s5, $0x7;
	s19 =	sshll.u32 s14, $0x7;
	[tilespmem:s7+$0x4280] =	vst v8;
	v8 =	vor.u32 s25, v2;
	v9 =	vld.idx.msk [tilespmem:v9+s10+$0x0], $0xffff  }
0x58: {  	v11 =	vor.u32 s12, v3;
	s3 =	sshll.u32 s3, $0x7;
	s13 =	sor.u32 s15, s19;
	s14 =	sor.u32 $0x16, s16;
	v10 =	vld.idx.msk [tilespmem:v10+s10+$0x0], $0xffff  }
0x59: {  	s3 =	sor.u32 s21, s3;
	s26 =	sor.u32 s21, s6;
	s0 =	sor.u32 $0x15, s18;
	[tilespmem:s23+$0x4280] =	vst v4;
	v4 =	vor.u32 s24, v3  }
0x5a: {  	s6 =	sor.u32 $0x6, s16;
	s31 =	sor.u32 $0x1, s18;
	s4 =	sshll.u32 s0, $0x7;
	v12 =	vor.u32 s18, v2;
	v5 =	vld.idx.msk [tilespmem:v5+s10+$0x0], $0xffff;
	[tilespmem:s13+$0x4280] =	vst v6  }
0x5b: {  	s1 =	sor.u32 $0x14, s18;
	s19 =	sor.u32 s17, s4;
	s5 =	sshll.u32 s24, $0x7;
	v6 =	vor.u32 s14, v1;
	v7 =	vld.idx.msk [tilespmem:v7+s10+$0x0], $0xffff  }
0x5c: {  	s7 =	sshll.u32 s6, $0x7;
	s4 =	sor.u32 s15, s28;
	s24 =	sor.u32 $0x11, s18;
	v8 =	vld.idx.msk [tilespmem:v8+s10+$0x0], $0xffff;
	[tilespmem:s3+$0x4280] =	vst v9;
	v9 =	vor.u32 s6, v1  }
0x5d: {  	s28 =	sor.u32 $0x7, s16;
	s20 =	sshll.u32 s1, $0x7;
	s30 =	sor.u32 s15, s7;
	[tilespmem:s26+$0x4280] =	vst v10;
	v10 =	vld.idx.msk [tilespmem:v11+s10+$0x0], $0xffff;
	v11 =	vor.u32 s24, v2  }
0x5e: {  	v13 =	vor.u32 s29, v3;
	s7 =	sshll.u32 s18, $0x7;
	s20 =	sor.u32 s17, s20;
	s26 =	sor.u32 $0xC, s22;
	v4 =	vld.idx.msk [tilespmem:v4+s10+$0x0], $0xffff  }
0x5f: {  	s13 =	sor.u32 s21, s5;
	s5 =	sshll.u32 s12, $0x7;
	s6 =	sshll.u32 s25, $0x7;
	[tilespmem:s9+$0x4280] =	vst v5;
	v5 =	vld.idx.msk [tilespmem:v12+s10+$0x0], $0xffff;
	v12 =	vor.u32 s26, v3  }
0x60: {  	v14 =	vor.u32 s31, v2;
	s14 =	sshll.u32 s14, $0x7;
	s25 =	sor.u32 $0x17, s16;
	s12 =	sor.u32 s17, s6;
	v6 =	vld.idx.msk [tilespmem:v6+s10+$0x0], $0xffff;
	[tilespmem:s4+$0x4280] =	vst v7  }
0x61: {  	s23 =	simm.s32 $0x6;
	s6 =	sor.u32 s15, s14;
	s9 =	sor.u32 s21, s5;
	v7 =	vor.u32 s25, v1;
	[tilespmem:s12+$0x4280] =	vst v8;
	v8 =	vld.idx.msk [tilespmem:v9+s10+$0x0], $0xffff  }
0x62: {  	s5 =	sor.u32 $0x1D, s22;
	s26 =	sshll.u32 s26, $0x7;
	v9 =	vld.idx.msk [tilespmem:v11+s10+$0x0], $0xffff;
	v11 =	vor.u32 s28, v1;
	[tilespmem:s9+$0x4280] =	vst v10;
	s9 =	sor.u32 $0x12, s18  }
0x63: {  	s26 =	sor.u32 s21, s26;
	s12 =	sor.u32 s17, s7;
	s4 =	sshll.u32 s5, $0x7;
	[tilespmem:s13+$0x4280] =	vst v4;
	v4 =	vld.idx.msk [tilespmem:v13+s10+$0x0], $0xffff;
	v10 =	vor.u32 s9, v2  }
0x64: {  	s7 =	sor.u32 $0xD, s22;
	s25 =	sshll.u32 s25, $0x7;
	s3 =	sor.u32 s21, s4;
	v13 =	vor.u32 s5, v3;
	[tilespmem:s12+$0x4280] =	vst v5;
	v5 =	vld.idx.msk [tilespmem:v12+s10+$0x0], $0xffff  }
0x65: {  	s14 =	sshll.u32 s7, $0x7;
	s5 =	sor.u32 $0x2, s18;
	v12 =	vor.u32 s7, v3;
	s7 =	sshll.u32 s24, $0x7;
	[tilespmem:s6+$0x4280] =	vst v6;
	v6 =	vld.idx.msk [tilespmem:v14+s10+$0x0], $0xffff  }
0x66: {  	s4 =	sshll.u32 s29, $0x7;
	s24 =	sor.u32 $0x18, s16;
	s13 =	sor.u32 s17, s7;
	v7 =	vld.idx.msk [tilespmem:v7+s10+$0x0], $0xffff;
	[tilespmem:s30+$0x4280] =	vst v8;
	v8 =	vor.u32 s5, v2  }
0x67: {  	s29 =	sshll.u32 s31, $0x7;
	s6 =	sor.u32 s21, s4;
	v14 =	vor.u32 s24, v1;
	s4 =	sor.u32 $0x8, s16;
	[tilespmem:s13+$0x4280] =	vst v9;
	v9 =	vld.idx.msk [tilespmem:v11+s10+$0x0], $0xffff  }
0x68: {  	s25 =	sor.u32 s15, s25;
	s31 =	sor.u32 $0x19, s16;
	v11 =	vor.u32 s4, v1;
	v10 =	vld.idx.msk [tilespmem:v10+s10+$0x0], $0xffff;
	[tilespmem:s6+$0x4280] =	vst v4;
	s6 =	sor.u32 $0x13, s18  }
0x69: {  	s14 =	sor.u32 s21, s14;
	s29 =	sor.u32 s17, s29;
	s12 =	sor.u32 $0x1E, s22;
	[tilespmem:s26+$0x4280] =	vst v5;
	v4 =	vld.idx.msk [tilespmem:v13+s10+$0x0], $0xffff;
	v5 =	vor.u32 s6, v2  }
0x6a: {  	s9 =	sshll.u32 s9, $0x7;
	s7 =	sshll.u32 s28, $0x7;
	s28 =	sor.u32 $0xE, s22;
	v13 =	vor.u32 s12, v3;
	[tilespmem:s29+$0x4280] =	vst v6;
	v6 =	vld.idx.msk [tilespmem:v12+s10+$0x0], $0xffff  }
0x6b: {  	s5 =	sshll.u32 s5, $0x7;
	s26 =	sor.u32 s15, s7;
	s29 =	sor.u32 $0x3, s18;
	[tilespmem:s25+$0x4280] =	vst v7;
	v7 =	vor.u32 s28, v3;
	v8 =	vld.idx.msk [tilespmem:v8+s10+$0x0], $0xffff  }
0x6c: {  	s9 =	sor.u32 s17, s9;
	s13 =	sshll.u32 s4, $0x7;
	s5 =	sor.u32 s17, s5;
	v12 =	vor.u32 s29, v2;
	v14 =	vld.idx.msk [tilespmem:v14+s10+$0x0], $0xffff;
	[tilespmem:s26+$0x4280] =	vst v9  }
0x6d: {  	s4 =	sshll.u32 s28, $0x7;
	s7 =	sor.u32 $0x9, s16;
	s25 =	sshll.u32 s24, $0x7;
	v9 =	vor.u32 s31, v1;
	[tilespmem:s9+$0x4280] =	vst v10;
	v10 =	vld.idx.msk [tilespmem:v11+s10+$0x0], $0xffff  }
0x6e: {  	s13 =	sor.u32 s15, s13;
	s24 =	sor.u32 $0x1B, s16;
	s25 =	sor.u32 s15, s25;
	v11 =	vor.u32 s7, v1;
	v5 =	vld.idx.msk [tilespmem:v5+s10+$0x0], $0xffff;
	[tilespmem:s3+$0x4280] =	vst v4  }
0x6f: {  	s9 =	sor.u32 $0x4, s18;
	s3 =	sor.u32 $0x1F, s22;
	[tilespmem:s14+$0x4280] =	vst v6;
	v6 =	vor.u32 s1, v2;
	s22 =	sor.u32 $0xF, s22;
	v4 =	vld.idx.msk [tilespmem:v13+s10+$0x0], $0xffff  }
0x70: {  	s1 =	sor.u32 s21, s4;
	s14 =	sshll.u32 s12, $0x7;
	s26 =	sshll.u32 s3, $0x7;
	v13 =	vor.u32 s3, v3;
	v7 =	vld.idx.msk [tilespmem:v7+s10+$0x0], $0xffff;
	[tilespmem:s5+$0x4280] =	vst v8  }
0x71: {  	v3 =	vor.u32 s22, v3;
	s4 =	sshll.u32 s22, $0x7;
	s3 =	sor.u32 s21, s14;
	[tilespmem:s25+$0x4280] =	vst v14;
	s25 =	sshll.u32 s6, $0x7;
	v8 =	vld.idx.msk [tilespmem:v12+s10+$0x0], $0xffff  }
0x72: {  	s14 =	sshll.u32 s29, $0x7;
	s6 =	sor.u32 $0x1A, s16;
	v12 =	vor.u32 s9, v2;
	v14 =	vld.idx.msk [tilespmem:v9+s10+$0x0], $0xffff;
	s5 =	sor.u32 s17, s25;
	[tilespmem:s13+$0x4280] =	vst v10  }
0x73: {  	s22 =	sshll.u32 s31, $0x7;
	s29 =	simm.s32 $0x18;
	s31 =	simm.s32 $0x60;
	v15 =	vor.u32 s6, v1;
	[tilespmem:s5+$0x4280] =	vst v5;
	v9 =	vld.idx.msk [tilespmem:v11+s10+$0x0], $0xffff  }
0x74: {  	s26 =	sor.u32 s21, s26;
	s30 =	sor.u32 s21, s4;
	s21 =	sor.u32 $0xA, s16;
	v10 =	vld.idx.msk [tilespmem:v6+s10+$0x0], $0xffff;
	[tilespmem:s3+$0x4280] =	vst v4  }
0x75: {  	s4 =	sor.u32 s15, s22;
	s22 =	sand.u32 $0x20, s31;
	s5 =	sor.u32 s17, s14;
	v5 =	vor.u32 s21, v1;
	[tilespmem:s1+$0x4280] =	vst v7;
	v7 =	vld.idx.msk [tilespmem:v13+s10+$0x0], $0xffff  }
0x76: {  	s13 =	sshll.u32 s7, $0x7;
	s3 =	sshll.u32 s21, $0x7;
	s21 =	sand.u32 $0x70, s29;
	v13 =	vor.u32 s0, v2;
	[tilespmem:s5+$0x4280] =	vst v8;
	v8 =	vld.idx.msk [tilespmem:v3+s10+$0x0], $0xffff  }
0x77: {  	s25 =	sor.u32 $0xB, s16;
	s14 =	sor.u32 $0x5, s18;
	s13 =	sor.u32 s15, s13;
	v3 =	vmov s21;
	[tilespmem:s4+$0x4280] =	vst v14;
	v11 =	vld.idx.msk [tilespmem:v12+s10+$0x0], $0xffff  }
0x78: {  	v4 =	vor.u32 s24, v1;
	s1 =	sshll.u32 s6, $0x7;
	s28 =	sor.u32 s15, s3;
	v3 =	vshll.u32 v3, $0x7;
	v12 =	vor.u32 s14, v2;
	s14 =	sshll.u32 s14, $0x7;
	v6 =	vld.idx.msk [tilespmem:v15+s10+$0x0], $0xffff  }
.LBB2_3:
0x79: {  	v3 =	vor.u32 v0, v3;
	s3 =	sor.u32 $0x10, s22;
	s12 =	sor.u32 $0x14, s22;
	s0 =	sor.u32 $0x15, s22;
	[tilespmem:s13+$0x4280] =	vst v9  }
0x7a: {  	s7 =	sshll.u32 s9, $0x7;
	v9 =	vor.u32 s22, v3;
	v14 =	vor.u32 s3, v3;
	s5 =	sshll.u32 s12, $0x7;
	s6 =	sshll.u32 s0, $0x7;
	[tilespmem:s20+$0x4280] =	vst v10;
	v5 =	vld.idx.msk [tilespmem:v5+s10+$0x0], $0xffff  }
0x7b: {  	s20 =	sor.u32 s21, s5;
	s5 =	sor.u32 s21, s6;
	s6 =	sor.u32 s17, s7;
	v10 =	vld.idx.msk [tilespmem:v13+s10+$0x0], $0xffff;
	v13 =	vor.u32 s25, v1;
	[tilespmem:s26+$0x4280] =	vst v7  }
0x7c: {  	s9 =	sshll.u32 s25, $0x7;
	s13 =	sor.u32 s15, s1;
	s7 =	sor.u32 $0x16, s18;
	[tilespmem:s30+$0x4280] =	vst v8  }
0x7d: {  	s23 =	sadd.s32 $0x2, s23;
	s1 =	smov.u32 s15;
	v7 =	vor.u32 s7, v2;
	[tilespmem:s6+$0x4280] =	vst v11;
	s6 =	sor.u32 s15, s9  }
0x7e: {  	p0 =	slt.u32 s23, $0x1E;
	s9 =	sor.u32 $0x6, s18;
	s15 =	smov.u32 s17;
	v8 =	vld.idx.msk [tilespmem:v12+s10+$0x0], $0xffff;
	[tilespmem:s13+$0x4280] =	vst v6  }
0x7f: {  	s26 =	sor.u32 $0x1C, s16;
	s17 =	smov.u32 s21;
	v11 =	vor.u32 s9, v2;
	s9 =	sshll.u32 s9, $0x7;
	v6 =	vld.idx.msk [tilespmem:v14+s10+$0x0], $0xffff  }
0x80: {  	s25 =	sor.u32 $0x11, s22;
	s21 =	sor.u32 s15, s9;
	s9 =	smov.u32 s16;
	[tilespmem:s28+$0x4280] =	vst v5;
	v4 =	vld.idx.msk [tilespmem:v4+s10+$0x0], $0xffff;
	v5 =	vor.u32 s26, v1  }
0x81: {  	v12 =	vor.u32 s25, v3;
	s16 =	smov.u32 s18;
	s28 =	sor.u32 $0xC, s9;
	[tilespmem:s19+$0x4280] =	vst v10;
	v10 =	vld.idx.msk [tilespmem:v13+s10+$0x0], $0xffff;
	s19 =	smov.u32 s5  }
0x82: {  	s13 =	sor.u32 s15, s14;
	s14 =	sshll.u32 s24, $0x7;
	s5 =	sor.u32 $0x1, s22;
	v13 =	vor.u32 s28, v1;
	v9 =	vld.idx.msk [tilespmem:v9+s10+$0x0], $0xffff  }
0x83: {  	s18 =	sshll.u32 s3, $0x7;
	s14 =	sor.u32 s1, s14;
	s3 =	sor.u32 $0x17, s16;
	v14 =	vor.u32 s5, v3;
	v7 =	vld.idx.msk [tilespmem:v7+s10+$0x0], $0xffff  }
0x84: {  	s24 =	sor.u32 s17, s18;
	s18 =	smov.u32 s22;
	[tilespmem:s13+$0x4280] =	vst v8;
	v8 =	vor.u32 s3, v2  }
0x85: {  	s13 =	sshll.u32 s18, $0x7;
	[tilespmem:s24+$0x4280] =	vst v6;
	v6 =	vld.idx.msk [tilespmem:v11+s10+$0x0], $0xffff;
	s24 =	sor.u32 $0x7, s16  }
0x86: {  	s7 =	sshll.u32 s7, $0x7;
	s13 =	sor.u32 s17, s13;
	v11 =	vld.idx.msk [tilespmem:v12+s10+$0x0], $0xffff;
	v12 =	vor.u32 s24, v2;
	[tilespmem:s14+$0x4280] =	vst v4;
	s14 =	sor.u32 $0x1D, s9  }
0x87: {  	s7 =	sor.u32 s15, s7;
	s22 =	sor.u32 $0x12, s18;
	[tilespmem:s6+$0x4280] =	vst v10;
	v4 =	vld.idx.msk [tilespmem:v5+s10+$0x0], $0xffff;
	v5 =	vor.u32 s14, v1;
	s6 =	sshll.u32 s14, $0x7  }
0x88: {  	s30 =	sor.u32 $0xD, s9;
	[tilespmem:s13+$0x4280] =	vst v9;
	v9 =	vor.u32 s22, v3;
	v10 =	vld.idx.msk [tilespmem:v13+s10+$0x0], $0xffff;
	s14 =	sor.u32 s1, s6;
	s13 =	sor.u32 $0x1E, s9  }
0x89: {  	s26 =	sshll.u32 s26, $0x7;
	s6 =	sor.u32 $0x2, s18;
	v13 =	vld.idx.msk [tilespmem:v14+s10+$0x0], $0xffff;
	[tilespmem:s7+$0x4280] =	vst v7;
	v7 =	vor.u32 s30, v1;
	s7 =	sshll.u32 s30, $0x7;
	v14 =	vor.u32 s13, v1  }
0x8a: {  	s25 =	sshll.u32 s25, $0x7;
	s26 =	sor.u32 s1, s26;
	v15 =	vor.u32 s6, v3;
	s30 =	sor.u32 $0x18, s16;
	v8 =	vld.idx.msk [tilespmem:v8+s10+$0x0], $0xffff  }
0x8b: {  	s25 =	sor.u32 s17, s25;
	s7 =	sor.u32 s1, s7;
	[tilespmem:s21+$0x4280] =	vst v6;
	v6 =	vor.u32 s30, v2;
	s21 =	sshll.u32 s28, $0x7  }
0x8c: {  	s5 =	sshll.u32 s5, $0x7;
	[tilespmem:s25+$0x4280] =	vst v11;
	v11 =	vld.idx.msk [tilespmem:v12+s10+$0x0], $0xffff;
	s25 =	sor.u32 $0x8, s16;
	s28 =	sor.u32 s1, s21  }
0x8d: {  	s5 =	sor.u32 s17, s5;
	v9 =	vld.idx.msk [tilespmem:v9+s10+$0x0], $0xffff;
	v12 =	vor.u32 s25, v2;
	s21 =	sshll.u32 s25, $0x7;
	s25 =	sshll.u32 s3, $0x7;
	[tilespmem:s26+$0x4280] =	vst v4  }
0x8e: {  	s3 =	sor.u32 $0x13, s18;
	s21 =	sor.u32 s15, s21;
	s25 =	sor.u32 s15, s25;
	[tilespmem:s28+$0x4280] =	vst v10;
	v4 =	vld.idx.msk [tilespmem:v5+s10+$0x0], $0xffff  }
0x8f: {  	s26 =	sor.u32 $0xE, s9;
	v5 =	vor.u32 s3, v3;
	[tilespmem:s5+$0x4280] =	vst v13;
	s5 =	sshll.u32 s24, $0x7;
	v7 =	vld.idx.msk [tilespmem:v7+s10+$0x0], $0xffff  }
0x90: {  	s28 =	sor.u32 $0x3, s18;
	v10 =	vld.idx.msk [tilespmem:v15+s10+$0x0], $0xffff;
	s5 =	sor.u32 s15, s5;
	[tilespmem:s25+$0x4280] =	vst v8;
	v8 =	vor.u32 s26, v1  }
0x91: {  	s4 =	sor.u32 $0x19, s16;
	s22 =	sshll.u32 s22, $0x7;
	v13 =	vor.u32 s28, v3;
	v6 =	vld.idx.msk [tilespmem:v6+s10+$0x0], $0xffff  }
0x92: {  	s22 =	sor.u32 s17, s22;
	[tilespmem:s5+$0x4280] =	vst v11;
	v11 =	vor.u32 s4, v2  }
0x93: {  	s5 =	sshll.u32 s6, $0x7;
	[tilespmem:s22+$0x4280] =	vst v9;
	v9 =	vld.idx.msk [tilespmem:v12+s10+$0x0], $0xffff;
	s22 =	sor.u32 $0x9, s16  }
0x94: {  	s6 =	sshll.u32 s30, $0x7;
	s5 =	sor.u32 s17, s5;
	v5 =	vld.idx.msk [tilespmem:v5+s10+$0x0], $0xffff;
	v12 =	vor.u32 s22, v2;
	[tilespmem:s14+$0x4280] =	vst v4;
	s14 =	sor.u32 $0x1F, s9  }
0x95: {  	s24 =	sor.u32 $0x1B, s16;
	s6 =	sor.u32 s15, s6;
	[tilespmem:s7+$0x4280] =	vst v7;
	v7 =	vld.idx.msk [tilespmem:v14+s10+$0x0], $0xffff;
	v14 =	vor.u32 s14, v1;
	s7 =	sshll.u32 s14, $0x7  }
0x96: {  	v4 =	vor.u32 s12, v3;
	s12 =	sor.u32 $0xF, s9;
	[tilespmem:s5+$0x4280] =	vst v10;
	v8 =	vld.idx.msk [tilespmem:v8+s10+$0x0], $0xffff;
	s5 =	sshll.u32 s26, $0x7;
	s26 =	sor.u32 s1, s7  }
0x97: {  	s9 =	sor.u32 $0x4, s18;
	v13 =	vld.idx.msk [tilespmem:v13+s10+$0x0], $0xffff;
	[tilespmem:s6+$0x4280] =	vst v6;
	s5 =	sor.u32 s1, s5;
	v6 =	vor.u32 s12, v1;
	s6 =	sshll.u32 s13, $0x7;
	v1 =	vmov v2;
	v2 =	vmov v3  }
0x98: {  	s3 =	sshll.u32 s3, $0x7;
	s7 =	sor.u32 $0x1A, s16;
	s12 =	sshll.u32 s12, $0x7;
	v3 =	vor.u32 s9, v2;
	v15 =	vld.idx.msk [tilespmem:v11+s10+$0x0], $0xffff  }
0x99: {  	s3 =	sor.u32 s17, s3;
	s25 =	sor.u32 $0xB, s16;
	v16 =	vor.u32 s7, v1;
	s6 =	sor.u32 s1, s6;
	[tilespmem:s21+$0x4280] =	vst v9  }
0x9a: {  	s13 =	sshll.u32 s28, $0x7;
	s30 =	sor.u32 s1, s12;
	[tilespmem:s3+$0x4280] =	vst v5;
	v9 =	vld.idx.msk [tilespmem:v12+s10+$0x0], $0xffff;
	s3 =	sor.u32 $0xA, s16  }
.Ltmp1:
0x9b: {  	s4 =	sshll.u32 s4, $0x7;
	s1 =	sor.u32 s17, s13;
	v10 =	vld.idx.msk [tilespmem:v4+s10+$0x0], $0xffff;
	v5 =	vor.u32 s3, v1;
	v4 =	vor.u32 s24, v1;
	[tilespmem:s6+$0x4280] =	vst v7;
	(pc) =	sbr.rel @p0 .LBB2_3-.Ltmp1, $4  }
0x9c: {  	s29 =	sadd.s32 $0x8, s29;
	s4 =	sor.u32 s15, s4;
	s3 =	sshll.u32 s3, $0x7;
	[tilespmem:s5+$0x4280] =	vst v8;
	v7 =	vld.idx.msk [tilespmem:v14+s10+$0x0], $0xffff  }
0x9d: {  	s21 =	sand.u32 $0x70, s29;
	s28 =	sor.u32 s15, s3;
	[tilespmem:s1+$0x4280] =	vst v13;
	v13 =	vor.u32 s0, v2;
	s0 =	sshll.u32 s22, $0x7;
	v8 =	vld.idx.msk [tilespmem:v6+s10+$0x0], $0xffff  }
0x9e: {  	s31 =	sadd.s32 $0x20, s31;
	v6 =	vmov s21;
	s1 =	sor.u32 $0x5, s18;
	v11 =	vld.idx.msk [tilespmem:v3+s10+$0x0], $0xffff;
	s13 =	sor.u32 s15, s0;
	[tilespmem:s4+$0x4280] =	vst v15  }
0x9f: {  	s22 =	sand.u32 $0x20, s31;
	v3 =	vshll.u32 v6, $0x7;
	v12 =	vor.u32 s1, v2;
	s14 =	sshll.u32 s1, $0x7;
	s1 =	sshll.u32 s7, $0x7;
	v6 =	vld.idx.msk [tilespmem:v16+s10+$0x0], $0xffff  }
0xa0: {  	v3 =	vor.u32 v0, v3;
	s0 =	sor.u32 $0x10, s22  }
0xa1: {  	v14 =	vor.u32 s0, v3  }
0xa2: {  	v15 =	vor.u32 s22, v3;
	_ =	sdelay $0x3  }
0xa3: {  	s3 =	sor.u32 $0x11, s22;
	v14 =	vld.idx.msk [tilespmem:v14+s10+$0x0], $0xffff  }
0xa4: {  	s4 =	sor.u32 $0x1, s22;
	v16 =	vor.u32 s3, v3;
	v15 =	vld.idx.msk [tilespmem:v15+s10+$0x0], $0xffff  }
0xa5: {  	v17 =	vor.u32 s4, v3  }
0xa6: {  	s0 =	sshll.u32 s0, $0x7  }
0xa7: {  	s5 =	sshll.u32 s22, $0x7;
	s0 =	sor.u32 s21, s0  }
0xa8: {  	s23 =	sor.u32 s21, s5;
	[tilespmem:s0+$0x4280] =	vst v14  }
0xa9: {  	s29 =	sor.u32 $0x12, s22;
	[tilespmem:s23+$0x4280] =	vst v15;
	v14 =	vld.idx.msk [tilespmem:v16+s10+$0x0], $0xffff  }
0xaa: {  	s31 =	sor.u32 $0x2, s22;
	v43 =	vor.u32 s29, v3;
	v44 =	vld.idx.msk [tilespmem:v17+s10+$0x0], $0xffff  }
0xab: {  	v45 =	vor.u32 s31, v3  }
0xac: {  	s3 =	sshll.u32 s3, $0x7  }
0xad: {  	s4 =	sshll.u32 s4, $0x7;
	s3 =	sor.u32 s21, s3  }
0xae: {  	s4 =	sor.u32 s21, s4;
	[tilespmem:s3+$0x4280] =	vst v14  }
0xaf: {  	s6 =	sor.u32 $0x13, s22;
	[tilespmem:s4+$0x4280] =	vst v44;
	v14 =	vld.idx.msk [tilespmem:v43+s10+$0x0], $0xffff  }
0xb0: {  	s7 =	sor.u32 $0x3, s22;
	v46 =	vor.u32 s6, v3;
	v16 =	vld.idx.msk [tilespmem:v45+s10+$0x0], $0xffff  }
0xb1: {  	v47 =	vor.u32 s7, v3  }
0xb2: {  	s5 =	sshll.u32 s29, $0x7  }
0xb3: {  	s5 =	sor.u32 s21, s5;
	s0 =	sshll.u32 s31, $0x7  }
0xb4: {  	s0 =	sor.u32 s21, s0;
	[tilespmem:s5+$0x4280] =	vst v14  }
0xb5: {  	s12 =	sor.u32 $0x14, s22;
	[tilespmem:s0+$0x4280] =	vst v16;
	v14 =	vld.idx.msk [tilespmem:v46+s10+$0x0], $0xffff  }
0xb6: {  	v48 =	vor.u32 s12, v3;
	s23 =	sor.u32 $0x4, s22;
	v16 =	vld.idx.msk [tilespmem:v47+s10+$0x0], $0xffff  }
0xb7: {  	v49 =	vor.u32 s23, v3  }
0xb8: {  	s4 =	sshll.u32 s6, $0x7  }
0xb9: {  	s3 =	sshll.u32 s7, $0x7;
	s4 =	sor.u32 s21, s4  }
0xba: {  	s3 =	sor.u32 s21, s3;
	[tilespmem:s4+$0x4280] =	vst v14  }
0xbb: {  	s29 =	sor.u32 $0x15, s22;
	[tilespmem:s3+$0x4280] =	vst v16;
	v14 =	vld.idx.msk [tilespmem:v48+s10+$0x0], $0xffff  }
0xbc: {  	v50 =	vor.u32 s29, v3;
	s31 =	sor.u32 $0x5, s22;
	v16 =	vld.idx.msk [tilespmem:v49+s10+$0x0], $0xffff  }
0xbd: {  	v51 =	vor.u32 s31, v3;
	s6 =	sshll.u32 s9, $0x7  }
0xbe: {  	[tilespmem:s20+$0x4280] =	vst v10;
	s6 =	sor.u32 s17, s6;
	s5 =	sshll.u32 s12, $0x7  }
0xbf: {  	v10 =	vld.idx.msk [tilespmem:v13+s10+$0x0], $0xffff;
	s7 =	sor.u32 $0x16, s18;
	[tilespmem:s6+$0x4280] =	vst v11;
	s0 =	sshll.u32 s23, $0x7;
	s5 =	sor.u32 s21, s5  }
0xc0: {  	s20 =	sor.u32 $0x6, s18;
	v52 =	vor.u32 s7, v2;
	v12 =	vld.idx.msk [tilespmem:v12+s10+$0x0], $0xffff;
	s0 =	sor.u32 s21, s0;
	[tilespmem:s5+$0x4280] =	vst v14  }
0xc1: {  	v53 =	vor.u32 s20, v2;
	s23 =	sor.u32 $0x16, s22;
	[tilespmem:s0+$0x4280] =	vst v16;
	v14 =	vld.idx.msk [tilespmem:v50+s10+$0x0], $0xffff  }
0xc2: {  	v54 =	vor.u32 s23, v3;
	s0 =	sor.u32 $0x6, s22;
	v16 =	vld.idx.msk [tilespmem:v51+s10+$0x0], $0xffff  }
0xc3: {  	v55 =	vor.u32 s0, v3  }
0xc4: {  	[tilespmem:s19+$0x4280] =	vst v10;
	s4 =	sshll.u32 s29, $0x7;
	s29 =	sor.u32 s17, s14  }
0xc5: {  	v10 =	vld.idx.msk [tilespmem:v52+s10+$0x0], $0xffff;
	s12 =	sor.u32 $0x17, s18;
	s3 =	sshll.u32 s31, $0x7;
	s4 =	sor.u32 s21, s4;
	[tilespmem:s29+$0x4280] =	vst v12  }
0xc6: {  	v56 =	vor.u32 s12, v2;
	s31 =	sor.u32 $0x7, s18;
	s3 =	sor.u32 s21, s3;
	v12 =	vld.idx.msk [tilespmem:v53+s10+$0x0], $0xffff;
	[tilespmem:s4+$0x4280] =	vst v14  }
0xc7: {  	v57 =	vor.u32 s31, v2;
	s4 =	sor.u32 $0x17, s22;
	[tilespmem:s3+$0x4280] =	vst v16;
	v14 =	vld.idx.msk [tilespmem:v54+s10+$0x0], $0xffff  }
0xc8: {  	s19 =	sor.u32 $0x7, s22;
	s14 =	sshll.u32 s7, $0x7;
	v58 =	vor.u32 s4, v3;
	v16 =	vld.idx.msk [tilespmem:v55+s10+$0x0], $0xffff  }
0xc9: {  	v59 =	vor.u32 s19, v3;
	s6 =	sshll.u32 s20, $0x7;
	s3 =	sor.u32 s17, s14  }
0xca: {  	s6 =	sor.u32 s17, s6;
	s20 =	sshll.u32 s23, $0x7;
	[tilespmem:s3+$0x4280] =	vst v10  }
0xcb: {  	s23 =	sor.u32 $0x18, s18;
	[tilespmem:s6+$0x4280] =	vst v12;
	s0 =	sshll.u32 s0, $0x7;
	s3 =	sor.u32 s21, s20;
	v10 =	vld.idx.msk [tilespmem:v56+s10+$0x0], $0xffff  }
0xcc: {  	v60 =	vor.u32 s23, v2;
	s6 =	sor.u32 $0x8, s18;
	v12 =	vld.idx.msk [tilespmem:v57+s10+$0x0], $0xffff;
	s0 =	sor.u32 s21, s0;
	[tilespmem:s3+$0x4280] =	vst v14  }
0xcd: {  	v61 =	vor.u32 s6, v2;
	s3 =	sor.u32 $0x18, s22;
	[tilespmem:s0+$0x4280] =	vst v16;
	v14 =	vld.idx.msk [tilespmem:v58+s10+$0x0], $0xffff  }
0xce: {  	s29 =	sshll.u32 s12, $0x7;
	s12 =	sor.u32 $0x8, s22;
	v62 =	vor.u32 s3, v3;
	v16 =	vld.idx.msk [tilespmem:v59+s10+$0x0], $0xffff  }
0xcf: {  	s9 =	sshll.u32 s31, $0x7;
	v63 =	vor.u32 s12, v3;
	s0 =	sor.u32 s17, s29  }
0xd0: {  	s31 =	sor.u32 s17, s9;
	s4 =	sshll.u32 s4, $0x7;
	[tilespmem:s0+$0x4280] =	vst v10  }
0xd1: {  	s19 =	sshll.u32 s19, $0x7;
	s9 =	sor.u32 $0x19, s18;
	[tilespmem:s31+$0x4280] =	vst v12;
	s14 =	sor.u32 s21, s4;
	v10 =	vld.idx.msk [tilespmem:v60+s10+$0x0], $0xffff  }
0xd2: {  	s7 =	sor.u32 $0x9, s18;
	v20 =	vor.u32 s9, v2;
	v12 =	vld.idx.msk [tilespmem:v61+s10+$0x0], $0xffff;
	s4 =	sor.u32 s21, s19;
	[tilespmem:s14+$0x4280] =	vst v14  }
0xd3: {  	v21 =	vor.u32 s7, v2;
	s0 =	sor.u32 $0x19, s22;
	[tilespmem:s4+$0x4280] =	vst v16;
	v14 =	vld.idx.msk [tilespmem:v62+s10+$0x0], $0xffff  }
0xd4: {  	s20 =	sshll.u32 s23, $0x7;
	s23 =	sor.u32 $0x9, s22;
	v22 =	vor.u32 s0, v3;
	v16 =	vld.idx.msk [tilespmem:v63+s10+$0x0], $0xffff  }
0xd5: {  	[tilespmem:s13+$0x4280] =	vst v9;
	s6 =	sshll.u32 s6, $0x7;
	v23 =	vor.u32 s23, v3;
	s4 =	sor.u32 s17, s20  }
0xd6: {  	s29 =	sor.u32 s17, s6;
	s3 =	sshll.u32 s3, $0x7;
	[tilespmem:s4+$0x4280] =	vst v10  }
0xd7: {  	s12 =	sshll.u32 s12, $0x7;
	s31 =	sor.u32 $0x1A, s18;
	[tilespmem:s29+$0x4280] =	vst v12;
	s3 =	sor.u32 s21, s3;
	v10 =	vld.idx.msk [tilespmem:v20+s10+$0x0], $0xffff  }
0xd8: {  	s13 =	sor.u32 $0xA, s18;
	v24 =	vor.u32 s31, v2;
	s6 =	sor.u32 s21, s12;
	v12 =	vld.idx.msk [tilespmem:v21+s10+$0x0], $0xffff;
	[tilespmem:s3+$0x4280] =	vst v14  }
0xd9: {  	v25 =	vor.u32 s13, v2;
	s14 =	sor.u32 $0x1A, s22;
	[tilespmem:s6+$0x4280] =	vst v16;
	v14 =	vld.idx.msk [tilespmem:v22+s10+$0x0], $0xffff  }
0xda: {  	[tilespmem:s26+$0x4280] =	vst v7;
	s9 =	sshll.u32 s9, $0x7;
	s19 =	sor.u32 $0xA, s22;
	v26 =	vor.u32 s14, v3;
	v9 =	vld.idx.msk [tilespmem:v23+s10+$0x0], $0xffff  }
0xdb: {  	[tilespmem:s30+$0x4280] =	vst v8;
	s7 =	sshll.u32 s7, $0x7;
	s9 =	sor.u32 s17, s9;
	v27 =	vor.u32 s19, v3  }
0xdc: {  	v5 =	vld.idx.msk [tilespmem:v5+s10+$0x0], $0xffff;
	s7 =	sor.u32 s17, s7;
	s0 =	sshll.u32 s0, $0x7;
	[tilespmem:s9+$0x4280] =	vst v10  }
0xdd: {  	v28 =	vor.u32 s25, v1;
	s5 =	sshll.u32 s23, $0x7;
	s0 =	sor.u32 s21, s0;
	s20 =	sor.u32 $0x1B, s18;
	[tilespmem:s7+$0x4280] =	vst v12;
	v11 =	vld.idx.msk [tilespmem:v24+s10+$0x0], $0xffff  }
0xde: {  	s5 =	sor.u32 s21, s5;
	v29 =	vor.u32 s20, v2;
	v13 =	vld.idx.msk [tilespmem:v25+s10+$0x0], $0xffff;
	[tilespmem:s0+$0x4280] =	vst v14;
	s0 =	sor.u32 $0xB, s18  }
0xdf: {  	s1 =	sor.u32 s15, s1;
	[tilespmem:s5+$0x4280] =	vst v9;
	s5 =	sor.u32 $0x1B, s22;
	v30 =	vor.u32 s0, v2;
	v7 =	vld.idx.msk [tilespmem:v26+s10+$0x0], $0xffff  }
0xe0: {  	[tilespmem:s1+$0x4280] =	vst v6;
	s23 =	sshll.u32 s31, $0x7;
	s4 =	sor.u32 $0xB, s22;
	v31 =	vor.u32 s5, v3;
	v8 =	vld.idx.msk [tilespmem:v27+s10+$0x0], $0xffff  }
0xe1: {  	v4 =	vld.idx.msk [tilespmem:v4+s10+$0x0], $0xffff;
	[tilespmem:s28+$0x4280] =	vst v5;
	s1 =	sor.u32 s17, s23;
	v32 =	vor.u32 s4, v3;
	s3 =	sshll.u32 s13, $0x7;
	s9 =	sor.u32 $0x1C, s16  }
0xe2: {  	s26 =	sor.u32 $0xC, s16;
	s6 =	sshll.u32 s14, $0x7;
	v10 =	vld.idx.msk [tilespmem:v28+s10+$0x0], $0xffff;
	s3 =	sor.u32 s17, s3;
	v33 =	vor.u32 s9, v1;
	[tilespmem:s1+$0x4280] =	vst v11  }
0xe3: {  	v34 =	vor.u32 s26, v1;
	s28 =	sor.u32 $0x1C, s18;
	s12 =	sshll.u32 s19, $0x7;
	s6 =	sor.u32 s21, s6;
	[tilespmem:s3+$0x4280] =	vst v13;
	v12 =	vld.idx.msk [tilespmem:v29+s10+$0x0], $0xffff  }
0xe4: {  	v35 =	vor.u32 s28, v2;
	s29 =	sshll.u32 s24, $0x7;
	s12 =	sor.u32 s21, s12;
	v14 =	vld.idx.msk [tilespmem:v30+s10+$0x0], $0xffff;
	[tilespmem:s6+$0x4280] =	vst v7;
	s6 =	sor.u32 $0xC, s18  }
0xe5: {  	s30 =	sshll.u32 s25, $0x7;
	s31 =	sor.u32 $0x1C, s22;
	s13 =	sor.u32 s15, s29;
	[tilespmem:s12+$0x4280] =	vst v8;
	v36 =	vor.u32 s6, v2;
	v6 =	vld.idx.msk [tilespmem:v31+s10+$0x0], $0xffff  }
0xe6: {  	v37 =	vor.u32 s31, v3;
	s19 =	sor.u32 $0xC, s22;
	s7 =	sshll.u32 s20, $0x7;
	s14 =	sor.u32 s15, s30;
	[tilespmem:s13+$0x4280] =	vst v4;
	v5 =	vld.idx.msk [tilespmem:v32+s10+$0x0], $0xffff  }
0xe7: {  	v39 =	vor.u32 s19, v3;
	s20 =	sor.u32 $0x1D, s16;
	s7 =	sor.u32 s17, s7;
	[tilespmem:s14+$0x4280] =	vst v10;
	v38 =	vld.idx.msk [tilespmem:v33+s10+$0x0], $0xffff;
	s0 =	sshll.u32 s0, $0x7  }
0xe8: {  	s23 =	sor.u32 $0xD, s16;
	v40 =	vor.u32 s20, v1;
	v11 =	vld.idx.msk [tilespmem:v34+s10+$0x0], $0xffff;
	s5 =	sshll.u32 s5, $0x7;
	s0 =	sor.u32 s17, s0;
	[tilespmem:s7+$0x4280] =	vst v12  }
0xe9: {  	v41 =	vor.u32 s23, v1;
	s24 =	sor.u32 $0x1D, s18;
	s4 =	sshll.u32 s4, $0x7;
	s5 =	sor.u32 s21, s5;
	v13 =	vld.idx.msk [tilespmem:v35+s10+$0x0], $0xffff;
	[tilespmem:s0+$0x4280] =	vst v14  }
0xea: {  	s25 =	sor.u32 $0xD, s18;
	v42 =	vor.u32 s24, v2;
	s4 =	sor.u32 s21, s4;
	s9 =	sshll.u32 s9, $0x7;
	v7 =	vld.idx.msk [tilespmem:v36+s10+$0x0], $0xffff;
	[tilespmem:s5+$0x4280] =	vst v6  }
0xeb: {  	v43 =	vor.u32 s25, v2;
	s9 =	sor.u32 s15, s9;
	s1 =	sshll.u32 s26, $0x7;
	s26 =	sor.u32 $0x1D, s22;
	[tilespmem:s4+$0x4280] =	vst v5;
	v4 =	vld.idx.msk [tilespmem:v37+s10+$0x0], $0xffff  }
0xec: {  	s3 =	sshll.u32 s28, $0x7;
	s28 =	sor.u32 $0xD, s22;
	s1 =	sor.u32 s15, s1;
	v44 =	vor.u32 s26, v3;
	[tilespmem:s9+$0x4280] =	vst v38;
	v45 =	vld.idx.msk [tilespmem:v39+s10+$0x0], $0xffff  }
0xed: {  	s29 =	sor.u32 $0x1E, s16;
	s3 =	sor.u32 s17, s3;
	v47 =	vor.u32 s28, v3;
	[tilespmem:s1+$0x4280] =	vst v11;
	v46 =	vld.idx.msk [tilespmem:v40+s10+$0x0], $0xffff;
	s6 =	sshll.u32 s6, $0x7  }
0xee: {  	s30 =	sor.u32 $0xE, s16;
	v48 =	vor.u32 s29, v1;
	s12 =	sshll.u32 s31, $0x7;
	v12 =	vld.idx.msk [tilespmem:v41+s10+$0x0], $0xffff;
	s6 =	sor.u32 s17, s6;
	[tilespmem:s3+$0x4280] =	vst v13  }
0xef: {  	v49 =	vor.u32 s30, v1;
	s13 =	sshll.u32 s19, $0x7;
	s31 =	sor.u32 $0x1E, s18;
	s12 =	sor.u32 s21, s12;
	v50 =	vld.idx.msk [tilespmem:v42+s10+$0x0], $0xffff;
	[tilespmem:s6+$0x4280] =	vst v7  }
0xf0: {  	s13 =	sor.u32 s21, s13;
	s14 =	sshll.u32 s20, $0x7;
	v51 =	vor.u32 s31, v2;
	v6 =	vld.idx.msk [tilespmem:v43+s10+$0x0], $0xffff;
	[tilespmem:s12+$0x4280] =	vst v4;
	s12 =	sor.u32 $0xE, s18  }
0xf1: {  	s19 =	sor.u32 $0x1E, s22;
	s14 =	sor.u32 s15, s14;
	s7 =	sshll.u32 s23, $0x7;
	[tilespmem:s13+$0x4280] =	vst v45;
	v52 =	vor.u32 s12, v2;
	v5 =	vld.idx.msk [tilespmem:v44+s10+$0x0], $0xffff  }
0xf2: {  	v53 =	vor.u32 s19, v3;
	s20 =	sor.u32 $0xE, s22;
	s7 =	sor.u32 s15, s7;
	s0 =	sshll.u32 s24, $0x7;
	[tilespmem:s14+$0x4280] =	vst v46;
	v54 =	vld.idx.msk [tilespmem:v47+s10+$0x0], $0xffff  }
0xf3: {  	v56 =	vor.u32 s20, v3;
	s23 =	sor.u32 $0x1F, s16;
	[tilespmem:s7+$0x4280] =	vst v12;
	s0 =	sor.u32 s17, s0;
	s5 =	sshll.u32 s25, $0x7;
	v55 =	vld.idx.msk [tilespmem:v48+s10+$0x0], $0xffff  }
0xf4: {  	v57 =	vor.u32 s23, v1;
	s24 =	sor.u32 $0xF, s16;
	s4 =	sshll.u32 s26, $0x7;
	v12 =	vld.idx.msk [tilespmem:v49+s10+$0x0], $0xffff;
	s5 =	sor.u32 s17, s5;
	[tilespmem:s0+$0x4280] =	vst v50  }
0xf5: {  	s9 =	sshll.u32 s28, $0x7;
	v1 =	vor.u32 s24, v1;
	s25 =	sor.u32 $0x1F, s18;
	s4 =	sor.u32 s21, s4;
	v58 =	vld.idx.msk [tilespmem:v51+s10+$0x0], $0xffff;
	[tilespmem:s5+$0x4280] =	vst v6  }
0xf6: {  	s1 =	sshll.u32 s29, $0x7;
	s9 =	sor.u32 s21, s9;
	s26 =	sor.u32 $0xF, s18;
	v59 =	vor.u32 s25, v2;
	[tilespmem:s4+$0x4280] =	vst v5;
	v4 =	vld.idx.msk [tilespmem:v52+s10+$0x0], $0xffff  }
0xf7: {  	s28 =	sor.u32 $0x1F, s22;
	s1 =	sor.u32 s15, s1;
	s3 =	sshll.u32 s30, $0x7;
	v2 =	vor.u32 s26, v2;
	[tilespmem:s9+$0x4280] =	vst v54;
	v8 =	vld.idx.msk [tilespmem:v53+s10+$0x0], $0xffff  }
0xf8: {  	v60 =	vor.u32 s28, v3;
	s30 =	sshll.u32 s31, $0x7;
	s31 =	sor.u32 $0xF, s22;
	s29 =	sor.u32 s15, s3;
	[tilespmem:s1+$0x4280] =	vst v55;
	v61 =	vld.idx.msk [tilespmem:v56+s10+$0x0], $0xffff  }
0xf9: {  	s3 =	sor.u32 s17, s30;
	v3 =	vor.u32 s31, v3;
	[tilespmem:s29+$0x4280] =	vst v12;
	v7 =	vld.idx.msk [tilespmem:v57+s10+$0x0], $0xffff;
	s12 =	sshll.u32 s12, $0x7  }
0xfa: {  	s16 =	sshll.u32 s19, $0x7;
	v1 =	vld.idx.msk [tilespmem:v1+s10+$0x0], $0xffff;
	s1 =	sor.u32 s17, s12;
	[tilespmem:s3+$0x4280] =	vst v58  }
0xfb: {  	s18 =	sshll.u32 s20, $0x7;
	s3 =	sor.u32 s21, s16;
	v62 =	vld.idx.msk [tilespmem:v59+s10+$0x0], $0xffff;
	[tilespmem:s1+$0x4280] =	vst v4  }
0xfc: {  	s19 =	sshll.u32 s23, $0x7;
	s1 =	sor.u32 s21, s18;
	[tilespmem:s3+$0x4280] =	vst v8;
	v2 =	vld.idx.msk [tilespmem:v2+s10+$0x0], $0xffff  }
0xfd: {  	s20 =	sor.u32 s15, s19;
	s0 =	sshll.u32 s24, $0x7;
	[tilespmem:s1+$0x4280] =	vst v61;
	v63 =	vld.idx.msk [tilespmem:v60+s10+$0x0], $0xffff  }
0xfe: {  	s22 =	sshll.u32 s25, $0x7;
	s0 =	sor.u32 s15, s0;
	[tilespmem:s20+$0x4280] =	vst v7;
	v3 =	vld.idx.msk [tilespmem:v3+s10+$0x0], $0xffff  }
0xff: {  	s23 =	sor.u32 s17, s22;
	s24 =	sshll.u32 s26, $0x7;
	[tilespmem:s0+$0x4280] =	vst v1  }
0x100: {  	s25 =	sshll.u32 s28, $0x7;
	s1 =	sor.u32 s17, s24;
	[tilespmem:s23+$0x4280] =	vst v62  }
0x101: {  	s26 =	sshll.u32 s31, $0x7;
	s0 =	sor.u32 s21, s25;
	[tilespmem:s1+$0x4280] =	vst v2  }
0x102: {  	s1 =	sor.u32 s21, s26;
	[tilespmem:s0+$0x4280] =	vst v63  }
0x103: {  	s28 =	simm.s32 $0x400;
	[tilespmem:s1+$0x4280] =	vst v3  }
0x104: {  	s30 =	simm.s32 $0x4280;
	s29 =	simm.s32 $0x1000;
	s0 =	rddreg [dreg:$0x5]  }
0x105: {  	[hbm4b:s0+s28] =	stream.strided.scatter [tilespmem:s30], [sflag:$0x2], $0x2000, s29, s28, $0x38;
	[tilespmem:$0x6280] =	vst v63  }
0x106: {  	_ =	swait.ge [sflag:s8], $0x2000  }
0x107: {  	s2 =	sadd.s32 $0x1, s2;
	s31 =	rddreg [dreg:$0x7]  }
0x108: {  	p0 =	sne.s32 s2, s31  }
.Ltmp2:
0x109: {  	_ = 	snop;
	(pc) =	sbr.rel @p0 .LBB2_2-.Ltmp2, $3  }
0x10a: {  	_ =	sdelay $0x1  }
0x10b: {  	[sflag:s8] =	ssyncset.done $0x0  }
0x10c: {  	[sflag:s8] =	ssyncadd.s32 $0xFFFFE000  }
.LBB2_5:
0x10d: {  	_ =	sfence.sel $0x180000  }
0x10e: {  	[bflag:$0x0] =	sbarrier.arrive $0xFFFF  }
0x10f: {  	_ =	strace $0x90000047  }
0x110: {  	s0 =	stileid.u32;
	[bflag:$0x2] =	sbarrier.arrive $0xFFFF  }
0x111: {  	p0 =	sne.s32 s0, $0x0;
	s0 =	rddreg [dreg:$0x2]  }
0x112: {  	s0 =	sadd.s32 @!p0 $0x100000, s0  }
0x113: {  	[sflag:s0] =	ssyncadd.tile.s32 @!p0 $0x1;
	_ =	shalt  }
.Lfunc_end2:
_tile_overlayer_lowered:
.L_overlay_start_2:
0x114: {  	(tag) =	ssettag $0x2  }
0x115: {  	s0 =	rddreg [dreg:$0x0];
	s2 =	stileid.u32  }
0x116: {  	s1 =	rddreg [dreg:$0x1];
	p0 =	sne.s32 s2, $0x0  }
0x117: {  	s3 =	rddreg [dreg:$0x2];
	[bflag:$0x3] =	sbarrier.arrive $0xFFFF;
	s2 =	simm.s32 @!p0 $0x1C02  }
0x118: {  	[timem:s3], [sflag:s2] =	dma.local @!p0 [hbm:s0], s1  }
0x119: {  	s0 =	simm.s32 @!p0 $0x2  }
0x11a: {  	_ =	swait.ge @!p0 [sflag:s0], s1  }
0x11b: {  	s1 =	ssub.s32 @!p0 $0x0, s1;
	[sflag:s0] =	ssyncset.done @!p0 $0x0  }
0x11c: {  	[sflag:s0] =	ssyncadd.s32 @!p0 s1  }
0x11d: {  	[bflag:$0x3] =	sbarrier.arrive $0xFFFF  }
0x11e: {  	_ =	shalt  }

</sc_bundles>
